<compile_context>
chip_gen: v7x
topology: tpu7x:2x2x1
jax: 0.10.2.dev20260603
libtpu: 0.0.44.dev20260713+nightly
codegen_flags: <defaults>
</compile_context>

<pallas_src>
import functools

import jax
import jax.numpy as jnp
from jax import lax
from jax.experimental import pallas as pl
from jax.experimental.pallas import tpu as pltpu
from jax.experimental.pallas import tpu_sc as plsc

_BR = 16384
_S = 50
_SP = 56
_D = 64
_DP = 128
_NC = 2
_NS = 16
_NW = _NC * _NS
_RPW = _BR // _NW
_NBUF = 8
_G = _RPW // _NBUF

_mesh = plsc.VectorSubcoreMesh(core_axis_name="c", subcore_axis_name="s")


@functools.partial(
    pl.kernel,
    mesh=_mesh,
    out_type=jax.ShapeDtypeStruct((_BR * _SP, _DP), jnp.float32),
    scratch_types=[
        pltpu.VMEM((_RPW, _S), jnp.int32),
        pltpu.VMEM((_NBUF * _SP, _DP), jnp.float32),
        pltpu.SemaphoreType.DMA((_NBUF,)),
        pltpu.SemaphoreType.DMA((_NBUF,)),
    ],
)
def _emb_lookup(w_hbm, x_hbm, out_hbm, idx_v, rows, gsem, ssem):
    wid = lax.axis_index("s") * _NC + lax.axis_index("c")
    rbase = wid * _RPW
    pltpu.sync_copy(x_hbm.at[pl.ds(rbase, _RPW)], idx_v)

    def gather(k, b):
        return pltpu.make_async_copy(
            w_hbm.at[idx_v.at[k]],
            rows.at[pl.ds(b * _SP, _S)],
            gsem.at[b],
        )

    def scatter(k, b):
        return pltpu.make_async_copy(
            rows.at[pl.ds(b * _SP, _SP)],
            out_hbm.at[pl.ds((rbase + k) * _SP, _SP)],
            ssem.at[b],
        )

    for b in range(_NBUF):
        gather(b, b).start()

    def body(g, carry):
        for b in range(_NBUF):
            k = g * _NBUF + b
            gather(k, b).wait()
            scatter(k, b).start()
        for b in range(_NBUF):
            k = g * _NBUF + b
            scatter(k, b).wait()

            @pl.when(g < _G - 1)
            def _():
                gather((g + 1) * _NBUF + b, b).start()

        return carry

    lax.fori_loop(0, _G, body, 0)


def kernel(x, weight):
    w_pad = jnp.pad(weight, ((0, 0), (0, _DP - _D)))
    out = _emb_lookup(w_pad, x.astype(jnp.int32))
    return out.reshape(_BR, _SP, _DP)[:, :_S, :_D]

# --- scband reference (transcript-rebuilt; emitter-appended) ---
"""Pipeline reference for scband-embedding-64321430225327 (READ-ONLY COPY).

The authoritative reference and input builder live on the scoring server;
editing this copy changes nothing except your own understanding.
"""

import jax, jax.numpy as jnp
import numpy as np

NUM_EMBEDDINGS = 1000000
EMBEDDING_DIM = 64

def setup_inputs(seed: int = 0) -> dict:
    key = jax.random.key(seed)
    k_idx, k_w = jax.random.split(key)
    x = jax.random.randint(k_idx, (16384, 50), 0, NUM_EMBEDDINGS, dtype=jnp.int64 if jax.config.jax_enable_x64 else jnp.int32)
    # trunc_normal_(mean=0, std=1, a=-3, b=3)
    weight = jax.random.truncated_normal(k_w, -3.0, 3.0, (NUM_EMBEDDINGS, EMBEDDING_DIM), dtype=jnp.float32)
    return {"x": x, "weight": weight}

def reference(x, weight):
    # Embedding lookup: weight[x] -> gather along axis 0
    return jnp.take(weight, x, axis=0)

if __name__ == "__main__":
    import jax
    _d = setup_inputs()
    print(jax.jit(kernel)(*tuple(_d.values())))

</pallas_src>

<mosaic_0001>
#map = affine_map<(d0, d1) -> (0, 0)>
module attributes {stable_mosaic.version = 14 : i64} {
  func.func @_emb_lookup(%arg0: i32, %arg1: i32, %arg2: memref<1000000x128xf32, #tpu.memory_space<hbm>>, %arg3: memref<16384x50xi32, #tpu.memory_space<hbm>>, %arg4: memref<917504x128xf32, #tpu.memory_space<hbm>>, %arg5: memref<512x50xi32, #tpu.memory_space<vmem>>, %arg6: memref<448x128xf32, #tpu.memory_space<vmem>>, %arg7: memref<8x!tpu.dma_semaphore, #tpu.memory_space<semaphore_mem>>, %arg8: memref<8x!tpu.dma_semaphore, #tpu.memory_space<semaphore_mem>>) attributes {dimension_semantics = [#tpu.dimension_semantics<core_parallel>, #tpu.dimension_semantics<subcore_parallel>], iteration_bounds = array<i64: 2, 16>, scalar_prefetch = 0 : i64, scratch_operands = 4 : i64, tpu.core_type = #tpu.core_type<sc_vector_subcore>, window_params = [{transform_indices = #map}, {transform_indices = #map}, {transform_indices = #map}]} {
    %mul3A = arith.constant 2 : i32
    %mul3A_0 = arith.muli %arg1, %mul3A : i32
    %add3A = arith.addi %mul3A_0, %arg0 : i32
    %mul3A_1 = arith.constant 512 : i32
    %mul3A_2 = arith.muli %add3A, %mul3A_1 : i32
    "tpu.region"() ({
      %run_scoped3A = tpu.sem_alloc : memref<!tpu.dma_semaphore, #tpu.memory_space<semaphore_mem>>
      %dma_start3A_111 = arith.constant 0 : i32
      %dma_start3A_112 = tpu.memref_slice %arg3[%mul3A_2, %dma_start3A_111] : memref<16384x50xi32, #tpu.memory_space<hbm>> -> memref<512x50xi32, #tpu.memory_space<hbm>>
      %dma_start3A_113 = arith.constant 0 : i32
      %dma_start3A_114 = tpu.memref_slice %arg3[%mul3A_2, %dma_start3A_113] : memref<16384x50xi32, #tpu.memory_space<hbm>> -> memref<512x50xi32, #tpu.memory_space<hbm>>
      tpu.enqueue_dma source(%dma_start3A_114 : memref<512x50xi32, #tpu.memory_space<hbm>>) target(%arg5 : memref<512x50xi32, #tpu.memory_space<vmem>>) target_semaphore(%run_scoped3A : memref<!tpu.dma_semaphore, #tpu.memory_space<semaphore_mem>>)
      %dma_wait3A = arith.constant 0 : i32
      %dma_wait3A_115 = tpu.memref_slice %arg3[%mul3A_2, %dma_wait3A] : memref<16384x50xi32, #tpu.memory_space<hbm>> -> memref<512x50xi32, #tpu.memory_space<hbm>>
      %dma_wait3A_116 = arith.constant 0 : i32
      %dma_wait3A_117 = tpu.memref_slice %arg3[%mul3A_2, %dma_wait3A_116] : memref<16384x50xi32, #tpu.memory_space<hbm>> -> memref<512x50xi32, #tpu.memory_space<hbm>>
      tpu.wait_dma2 semaphore(%run_scoped3A : memref<!tpu.dma_semaphore, #tpu.memory_space<semaphore_mem>>) src(%dma_wait3A_117 : memref<512x50xi32, #tpu.memory_space<hbm>>) dst(%arg5 : memref<512x50xi32, #tpu.memory_space<vmem>>)
      tpu.yield
    }) : () -> ()
    %dma_start3A = arith.constant 0 : i32
    %dma_start3A_3 = arith.constant 0 : i32
    %dma_start3A_4 = arith.constant 0 : i32
    %dma_start3A_5 = arith.constant 0 : i32
    %dma_start3A_6 = tpu.memref_slice %arg6[%dma_start3A_4, %dma_start3A_5] : memref<448x128xf32, #tpu.memory_space<vmem>> -> memref<50x128xf32, #tpu.memory_space<vmem>>
    %dma_start3A_7 = arith.constant 0 : i32
    %dma_start3A_8 = tpu.memref_slice %arg5[%dma_start3A, %dma_start3A_7] : memref<512x50xi32, #tpu.memory_space<vmem>> -> memref<1x50xi32, #tpu.memory_space<vmem>>
    %dma_start3A_9 = tpu.memref_squeeze %dma_start3A_8 : memref<1x50xi32, #tpu.memory_space<vmem>> -> memref<50xi32, #tpu.memory_space<vmem>>
    %dma_start3A_10 = arith.constant 0 : i32
    %dma_start3A_11 = arith.constant 0 : i32
    %dma_start3A_12 = tpu.memref_slice %arg2[%dma_start3A_10, %dma_start3A_11] : memref<1000000x128xf32, #tpu.memory_space<hbm>> -> memref<1000000x128xf32, #tpu.memory_space<hbm>>
    %dma_start3A_13 = tpu.memref_slice %arg7[%dma_start3A_3] : memref<8x!tpu.dma_semaphore, #tpu.memory_space<semaphore_mem>> -> memref<1x!tpu.dma_semaphore, #tpu.memory_space<semaphore_mem>>
    %dma_start3A_14 = tpu.memref_squeeze %dma_start3A_13 : memref<1x!tpu.dma_semaphore, #tpu.memory_space<semaphore_mem>> -> memref<!tpu.dma_semaphore, #tpu.memory_space<semaphore_mem>>
    tpu.enqueue_indirect_dma source(%dma_start3A_12 : memref<1000000x128xf32, #tpu.memory_space<hbm>>) target(%dma_start3A_6 : memref<50x128xf32, #tpu.memory_space<vmem>>) offsets(%dma_start3A_9 : memref<50xi32, #tpu.memory_space<vmem>>) semaphore(%dma_start3A_14 : memref<!tpu.dma_semaphore, #tpu.memory_space<semaphore_mem>>)
    %dma_start3A_15 = arith.constant 1 : i32
    %dma_start3A_16 = arith.constant 1 : i32
    %dma_start3A_17 = arith.constant 56 : i32
    %dma_start3A_18 = arith.constant 0 : i32
    %dma_start3A_19 = tpu.memref_slice %arg6[%dma_start3A_17, %dma_start3A_18] : memref<448x128xf32, #tpu.memory_space<vmem>> -> memref<50x128xf32, #tpu.memory_space<vmem>>
    %dma_start3A_20 = arith.constant 0 : i32
    %dma_start3A_21 = tpu.memref_slice %arg5[%dma_start3A_15, %dma_start3A_20] : memref<512x50xi32, #tpu.memory_space<vmem>> -> memref<1x50xi32, #tpu.memory_space<vmem>>
    %dma_start3A_22 = tpu.memref_squeeze %dma_start3A_21 : memref<1x50xi32, #tpu.memory_space<vmem>> -> memref<50xi32, #tpu.memory_space<vmem>>
    %dma_start3A_23 = arith.constant 0 : i32
    %dma_start3A_24 = arith.constant 0 : i32
    %dma_start3A_25 = tpu.memref_slice %arg2[%dma_start3A_23, %dma_start3A_24] : memref<1000000x128xf32, #tpu.memory_space<hbm>> -> memref<1000000x128xf32, #tpu.memory_space<hbm>>
    %dma_start3A_26 = tpu.memref_slice %arg7[%dma_start3A_16] : memref<8x!tpu.dma_semaphore, #tpu.memory_space<semaphore_mem>> -> memref<1x!tpu.dma_semaphore, #tpu.memory_space<semaphore_mem>>
    %dma_start3A_27 = tpu.memref_squeeze %dma_start3A_26 : memref<1x!tpu.dma_semaphore, #tpu.memory_space<semaphore_mem>> -> memref<!tpu.dma_semaphore, #tpu.memory_space<semaphore_mem>>
    tpu.enqueue_indirect_dma source(%dma_start3A_25 : memref<1000000x128xf32, #tpu.memory_space<hbm>>) target(%dma_start3A_19 : memref<50x128xf32, #tpu.memory_space<vmem>>) offsets(%dma_start3A_22 : memref<50xi32, #tpu.memory_space<vmem>>) semaphore(%dma_start3A_27 : memref<!tpu.dma_semaphore, #tpu.memory_space<semaphore_mem>>)
    %dma_start3A_28 = arith.constant 2 : i32
    %dma_start3A_29 = arith.constant 2 : i32
    %dma_start3A_30 = arith.constant 112 : i32
    %dma_start3A_31 = arith.constant 0 : i32
    %dma_start3A_32 = tpu.memref_slice %arg6[%dma_start3A_30, %dma_start3A_31] : memref<448x128xf32, #tpu.memory_space<vmem>> -> memref<50x128xf32, #tpu.memory_space<vmem>>
    %dma_start3A_33 = arith.constant 0 : i32
    %dma_start3A_34 = tpu.memref_slice %arg5[%dma_start3A_28, %dma_start3A_33] : memref<512x50xi32, #tpu.memory_space<vmem>> -> memref<1x50xi32, #tpu.memory_space<vmem>>
    %dma_start3A_35 = tpu.memref_squeeze %dma_start3A_34 : memref<1x50xi32, #tpu.memory_space<vmem>> -> memref<50xi32, #tpu.memory_space<vmem>>
    %dma_start3A_36 = arith.constant 0 : i32
    %dma_start3A_37 = arith.constant 0 : i32
    %dma_start3A_38 = tpu.memref_slice %arg2[%dma_start3A_36, %dma_start3A_37] : memref<1000000x128xf32, #tpu.memory_space<hbm>> -> memref<1000000x128xf32, #tpu.memory_space<hbm>>
    %dma_start3A_39 = tpu.memref_slice %arg7[%dma_start3A_29] : memref<8x!tpu.dma_semaphore, #tpu.memory_space<semaphore_mem>> -> memref<1x!tpu.dma_semaphore, #tpu.memory_space<semaphore_mem>>
    %dma_start3A_40 = tpu.memref_squeeze %dma_start3A_39 : memref<1x!tpu.dma_semaphore, #tpu.memory_space<semaphore_mem>> -> memref<!tpu.dma_semaphore, #tpu.memory_space<semaphore_mem>>
    tpu.enqueue_indirect_dma source(%dma_start3A_38 : memref<1000000x128xf32, #tpu.memory_space<hbm>>) target(%dma_start3A_32 : memref<50x128xf32, #tpu.memory_space<vmem>>) offsets(%dma_start3A_35 : memref<50xi32, #tpu.memory_space<vmem>>) semaphore(%dma_start3A_40 : memref<!tpu.dma_semaphore, #tpu.memory_space<semaphore_mem>>)
    %dma_start3A_41 = arith.constant 3 : i32
    %dma_start3A_42 = arith.constant 3 : i32
    %dma_start3A_43 = arith.constant 168 : i32
    %dma_start3A_44 = arith.constant 0 : i32
    %dma_start3A_45 = tpu.memref_slice %arg6[%dma_start3A_43, %dma_start3A_44] : memref<448x128xf32, #tpu.memory_space<vmem>> -> memref<50x128xf32, #tpu.memory_space<vmem>>
    %dma_start3A_46 = arith.constant 0 : i32
    %dma_start3A_47 = tpu.memref_slice %arg5[%dma_start3A_41, %dma_start3A_46] : memref<512x50xi32, #tpu.memory_space<vmem>> -> memref<1x50xi32, #tpu.memory_space<vmem>>
    %dma_start3A_48 = tpu.memref_squeeze %dma_start3A_47 : memref<1x50xi32, #tpu.memory_space<vmem>> -> memref<50xi32, #tpu.memory_space<vmem>>
    %dma_start3A_49 = arith.constant 0 : i32
    %dma_start3A_50 = arith.constant 0 : i32
    %dma_start3A_51 = tpu.memref_slice %arg2[%dma_start3A_49, %dma_start3A_50] : memref<1000000x128xf32, #tpu.memory_space<hbm>> -> memref<1000000x128xf32, #tpu.memory_space<hbm>>
    %dma_start3A_52 = tpu.memref_slice %arg7[%dma_start3A_42] : memref<8x!tpu.dma_semaphore, #tpu.memory_space<semaphore_mem>> -> memref<1x!tpu.dma_semaphore, #tpu.memory_space<semaphore_mem>>
    %dma_start3A_53 = tpu.memref_squeeze %dma_start3A_52 : memref<1x!tpu.dma_semaphore, #tpu.memory_space<semaphore_mem>> -> memref<!tpu.dma_semaphore, #tpu.memory_space<semaphore_mem>>
    tpu.enqueue_indirect_dma source(%dma_start3A_51 : memref<1000000x128xf32, #tpu.memory_space<hbm>>) target(%dma_start3A_45 : memref<50x128xf32, #tpu.memory_space<vmem>>) offsets(%dma_start3A_48 : memref<50xi32, #tpu.memory_space<vmem>>) semaphore(%dma_start3A_53 : memref<!tpu.dma_semaphore, #tpu.memory_space<semaphore_mem>>)
    %dma_start3A_54 = arith.constant 4 : i32
    %dma_start3A_55 = arith.constant 4 : i32
    %dma_start3A_56 = arith.constant 224 : i32
    %dma_start3A_57 = arith.constant 0 : i32
    %dma_start3A_58 = tpu.memref_slice %arg6[%dma_start3A_56, %dma_start3A_57] : memref<448x128xf32, #tpu.memory_space<vmem>> -> memref<50x128xf32, #tpu.memory_space<vmem>>
    %dma_start3A_59 = arith.constant 0 : i32
    %dma_start3A_60 = tpu.memref_slice %arg5[%dma_start3A_54, %dma_start3A_59] : memref<512x50xi32, #tpu.memory_space<vmem>> -> memref<1x50xi32, #tpu.memory_space<vmem>>
    %dma_start3A_61 = tpu.memref_squeeze %dma_start3A_60 : memref<1x50xi32, #tpu.memory_space<vmem>> -> memref<50xi32, #tpu.memory_space<vmem>>
    %dma_start3A_62 = arith.constant 0 : i32
    %dma_start3A_63 = arith.constant 0 : i32
    %dma_start3A_64 = tpu.memref_slice %arg2[%dma_start3A_62, %dma_start3A_63] : memref<1000000x128xf32, #tpu.memory_space<hbm>> -> memref<1000000x128xf32, #tpu.memory_space<hbm>>
    %dma_start3A_65 = tpu.memref_slice %arg7[%dma_start3A_55] : memref<8x!tpu.dma_semaphore, #tpu.memory_space<semaphore_mem>> -> memref<1x!tpu.dma_semaphore, #tpu.memory_space<semaphore_mem>>
    %dma_start3A_66 = tpu.memref_squeeze %dma_start3A_65 : memref<1x!tpu.dma_semaphore, #tpu.memory_space<semaphore_mem>> -> memref<!tpu.dma_semaphore, #tpu.memory_space<semaphore_mem>>
    tpu.enqueue_indirect_dma source(%dma_start3A_64 : memref<1000000x128xf32, #tpu.memory_space<hbm>>) target(%dma_start3A_58 : memref<50x128xf32, #tpu.memory_space<vmem>>) offsets(%dma_start3A_61 : memref<50xi32, #tpu.memory_space<vmem>>) semaphore(%dma_start3A_66 : memref<!tpu.dma_semaphore, #tpu.memory_space<semaphore_mem>>)
    %dma_start3A_67 = arith.constant 5 : i32
    %dma_start3A_68 = arith.constant 5 : i32
    %dma_start3A_69 = arith.constant 280 : i32
    %dma_start3A_70 = arith.constant 0 : i32
    %dma_start3A_71 = tpu.memref_slice %arg6[%dma_start3A_69, %dma_start3A_70] : memref<448x128xf32, #tpu.memory_space<vmem>> -> memref<50x128xf32, #tpu.memory_space<vmem>>
    %dma_start3A_72 = arith.constant 0 : i32
    %dma_start3A_73 = tpu.memref_slice %arg5[%dma_start3A_67, %dma_start3A_72] : memref<512x50xi32, #tpu.memory_space<vmem>> -> memref<1x50xi32, #tpu.memory_space<vmem>>
    %dma_start3A_74 = tpu.memref_squeeze %dma_start3A_73 : memref<1x50xi32, #tpu.memory_space<vmem>> -> memref<50xi32, #tpu.memory_space<vmem>>
    %dma_start3A_75 = arith.constant 0 : i32
    %dma_start3A_76 = arith.constant 0 : i32
    %dma_start3A_77 = tpu.memref_slice %arg2[%dma_start3A_75, %dma_start3A_76] : memref<1000000x128xf32, #tpu.memory_space<hbm>> -> memref<1000000x128xf32, #tpu.memory_space<hbm>>
    %dma_start3A_78 = tpu.memref_slice %arg7[%dma_start3A_68] : memref<8x!tpu.dma_semaphore, #tpu.memory_space<semaphore_mem>> -> memref<1x!tpu.dma_semaphore, #tpu.memory_space<semaphore_mem>>
    %dma_start3A_79 = tpu.memref_squeeze %dma_start3A_78 : memref<1x!tpu.dma_semaphore, #tpu.memory_space<semaphore_mem>> -> memref<!tpu.dma_semaphore, #tpu.memory_space<semaphore_mem>>
    tpu.enqueue_indirect_dma source(%dma_start3A_77 : memref<1000000x128xf32, #tpu.memory_space<hbm>>) target(%dma_start3A_71 : memref<50x128xf32, #tpu.memory_space<vmem>>) offsets(%dma_start3A_74 : memref<50xi32, #tpu.memory_space<vmem>>) semaphore(%dma_start3A_79 : memref<!tpu.dma_semaphore, #tpu.memory_space<semaphore_mem>>)
    %dma_start3A_80 = arith.constant 6 : i32
    %dma_start3A_81 = arith.constant 6 : i32
    %dma_start3A_82 = arith.constant 336 : i32
    %dma_start3A_83 = arith.constant 0 : i32
    %dma_start3A_84 = tpu.memref_slice %arg6[%dma_start3A_82, %dma_start3A_83] : memref<448x128xf32, #tpu.memory_space<vmem>> -> memref<50x128xf32, #tpu.memory_space<vmem>>
    %dma_start3A_85 = arith.constant 0 : i32
    %dma_start3A_86 = tpu.memref_slice %arg5[%dma_start3A_80, %dma_start3A_85] : memref<512x50xi32, #tpu.memory_space<vmem>> -> memref<1x50xi32, #tpu.memory_space<vmem>>
    %dma_start3A_87 = tpu.memref_squeeze %dma_start3A_86 : memref<1x50xi32, #tpu.memory_space<vmem>> -> memref<50xi32, #tpu.memory_space<vmem>>
    %dma_start3A_88 = arith.constant 0 : i32
    %dma_start3A_89 = arith.constant 0 : i32
    %dma_start3A_90 = tpu.memref_slice %arg2[%dma_start3A_88, %dma_start3A_89] : memref<1000000x128xf32, #tpu.memory_space<hbm>> -> memref<1000000x128xf32, #tpu.memory_space<hbm>>
    %dma_start3A_91 = tpu.memref_slice %arg7[%dma_start3A_81] : memref<8x!tpu.dma_semaphore, #tpu.memory_space<semaphore_mem>> -> memref<1x!tpu.dma_semaphore, #tpu.memory_space<semaphore_mem>>
    %dma_start3A_92 = tpu.memref_squeeze %dma_start3A_91 : memref<1x!tpu.dma_semaphore, #tpu.memory_space<semaphore_mem>> -> memref<!tpu.dma_semaphore, #tpu.memory_space<semaphore_mem>>
    tpu.enqueue_indirect_dma source(%dma_start3A_90 : memref<1000000x128xf32, #tpu.memory_space<hbm>>) target(%dma_start3A_84 : memref<50x128xf32, #tpu.memory_space<vmem>>) offsets(%dma_start3A_87 : memref<50xi32, #tpu.memory_space<vmem>>) semaphore(%dma_start3A_92 : memref<!tpu.dma_semaphore, #tpu.memory_space<semaphore_mem>>)
    %dma_start3A_93 = arith.constant 7 : i32
    %dma_start3A_94 = arith.constant 7 : i32
    %dma_start3A_95 = arith.constant 392 : i32
    %dma_start3A_96 = arith.constant 0 : i32
    %dma_start3A_97 = tpu.memref_slice %arg6[%dma_start3A_95, %dma_start3A_96] : memref<448x128xf32, #tpu.memory_space<vmem>> -> memref<50x128xf32, #tpu.memory_space<vmem>>
    %dma_start3A_98 = arith.constant 0 : i32
    %dma_start3A_99 = tpu.memref_slice %arg5[%dma_start3A_93, %dma_start3A_98] : memref<512x50xi32, #tpu.memory_space<vmem>> -> memref<1x50xi32, #tpu.memory_space<vmem>>
    %dma_start3A_100 = tpu.memref_squeeze %dma_start3A_99 : memref<1x50xi32, #tpu.memory_space<vmem>> -> memref<50xi32, #tpu.memory_space<vmem>>
    %dma_start3A_101 = arith.constant 0 : i32
    %dma_start3A_102 = arith.constant 0 : i32
    %dma_start3A_103 = tpu.memref_slice %arg2[%dma_start3A_101, %dma_start3A_102] : memref<1000000x128xf32, #tpu.memory_space<hbm>> -> memref<1000000x128xf32, #tpu.memory_space<hbm>>
    %dma_start3A_104 = tpu.memref_slice %arg7[%dma_start3A_94] : memref<8x!tpu.dma_semaphore, #tpu.memory_space<semaphore_mem>> -> memref<1x!tpu.dma_semaphore, #tpu.memory_space<semaphore_mem>>
    %dma_start3A_105 = tpu.memref_squeeze %dma_start3A_104 : memref<1x!tpu.dma_semaphore, #tpu.memory_space<semaphore_mem>> -> memref<!tpu.dma_semaphore, #tpu.memory_space<semaphore_mem>>
    tpu.enqueue_indirect_dma source(%dma_start3A_103 : memref<1000000x128xf32, #tpu.memory_space<hbm>>) target(%dma_start3A_97 : memref<50x128xf32, #tpu.memory_space<vmem>>) offsets(%dma_start3A_100 : memref<50xi32, #tpu.memory_space<vmem>>) semaphore(%dma_start3A_105 : memref<!tpu.dma_semaphore, #tpu.memory_space<semaphore_mem>>)
    %scan3A = arith.constant 0 : i32
    %scan3A_106 = arith.constant 0 : i32
    %scan3A_107 = arith.constant 64 : i32
    %scan3A_108 = arith.addi %scan3A_106, %scan3A_107 : i32
    %scan3A_109 = arith.constant 1 : i32
    scf.for %scan3A_111 = %scan3A_106 to %scan3A_108 step %scan3A_109  : i32 {
      %mul3A_112 = arith.constant 8 : i32
      %mul3A_113 = arith.muli %scan3A_111, %mul3A_112 : i32
      %add3A_114 = arith.constant 0 : i32
      %add3A_115 = arith.addi %mul3A_113, %add3A_114 : i32
      %dma_wait3A = arith.constant 0 : i32
      %dma_wait3A_116 = arith.constant 0 : i32
      %dma_wait3A_117 = arith.constant 0 : i32
      %dma_wait3A_118 = tpu.memref_slice %arg6[%dma_wait3A_116, %dma_wait3A_117] : memref<448x128xf32, #tpu.memory_space<vmem>> -> memref<50x128xf32, #tpu.memory_space<vmem>>
      %dma_wait3A_119 = arith.constant 0 : i32
      %dma_wait3A_120 = tpu.memref_slice %arg5[%add3A_115, %dma_wait3A_119] : memref<512x50xi32, #tpu.memory_space<vmem>> -> memref<1x50xi32, #tpu.memory_space<vmem>>
      %dma_wait3A_121 = tpu.memref_squeeze %dma_wait3A_120 : memref<1x50xi32, #tpu.memory_space<vmem>> -> memref<50xi32, #tpu.memory_space<vmem>>
      %dma_wait3A_122 = arith.constant 0 : i32
      %dma_wait3A_123 = arith.constant 0 : i32
      %dma_wait3A_124 = tpu.memref_slice %arg2[%dma_wait3A_122, %dma_wait3A_123] : memref<1000000x128xf32, #tpu.memory_space<hbm>> -> memref<1000000x128xf32, #tpu.memory_space<hbm>>
      %dma_wait3A_125 = tpu.memref_slice %arg7[%dma_wait3A] : memref<8x!tpu.dma_semaphore, #tpu.memory_space<semaphore_mem>> -> memref<1x!tpu.dma_semaphore, #tpu.memory_space<semaphore_mem>>
      %dma_wait3A_126 = tpu.memref_squeeze %dma_wait3A_125 : memref<1x!tpu.dma_semaphore, #tpu.memory_space<semaphore_mem>> -> memref<!tpu.dma_semaphore, #tpu.memory_space<semaphore_mem>>
      tpu.wait_indirect_dma semaphore(%dma_wait3A_126 : memref<!tpu.dma_semaphore, #tpu.memory_space<semaphore_mem>>) src(%dma_wait3A_124 : memref<1000000x128xf32, #tpu.memory_space<hbm>>) dst(%dma_wait3A_118 : memref<50x128xf32, #tpu.memory_space<vmem>>)
      %add3A_127 = arith.addi %mul3A_2, %add3A_115 : i32
      %mul3A_128 = arith.constant 56 : i32
      %mul3A_129 = arith.muli %add3A_127, %mul3A_128 : i32
      %dma_start3A_130 = arith.constant 0 : i32
      %dma_start3A_131 = arith.constant 0 : i32
      %dma_start3A_132 = arith.constant 0 : i32
      %dma_start3A_133 = tpu.memref_slice %arg6[%dma_start3A_131, %dma_start3A_132] : memref<448x128xf32, #tpu.memory_space<vmem>> -> memref<56x128xf32, #tpu.memory_space<vmem>>
      %dma_start3A_134 = arith.constant 0 : i32
      %dma_start3A_135 = tpu.memref_slice %arg4[%mul3A_129, %dma_start3A_134] : memref<917504x128xf32, #tpu.memory_space<hbm>> -> memref<56x128xf32, #tpu.memory_space<hbm>>
      %dma_start3A_136 = tpu.memref_slice %arg8[%dma_start3A_130] : memref<8x!tpu.dma_semaphore, #tpu.memory_space<semaphore_mem>> -> memref<1x!tpu.dma_semaphore, #tpu.memory_space<semaphore_mem>>
      %dma_start3A_137 = tpu.memref_squeeze %dma_start3A_136 : memref<1x!tpu.dma_semaphore, #tpu.memory_space<semaphore_mem>> -> memref<!tpu.dma_semaphore, #tpu.memory_space<semaphore_mem>>
      %dma_start3A_138 = arith.constant 0 : i32
      %dma_start3A_139 = tpu.memref_slice %arg4[%mul3A_129, %dma_start3A_138] : memref<917504x128xf32, #tpu.memory_space<hbm>> -> memref<56x128xf32, #tpu.memory_space<hbm>>
      %dma_start3A_140 = arith.constant 0 : i32
      %dma_start3A_141 = arith.constant 0 : i32
      %dma_start3A_142 = tpu.memref_slice %arg6[%dma_start3A_140, %dma_start3A_141] : memref<448x128xf32, #tpu.memory_space<vmem>> -> memref<56x128xf32, #tpu.memory_space<vmem>>
      tpu.enqueue_dma source(%dma_start3A_142 : memref<56x128xf32, #tpu.memory_space<vmem>>) target(%dma_start3A_139 : memref<56x128xf32, #tpu.memory_space<hbm>>) target_semaphore(%dma_start3A_137 : memref<!tpu.dma_semaphore, #tpu.memory_space<semaphore_mem>>)
      %mul3A_143 = arith.constant 8 : i32
      %mul3A_144 = arith.muli %scan3A_111, %mul3A_143 : i32
      %add3A_145 = arith.constant 1 : i32
      %add3A_146 = arith.addi %mul3A_144, %add3A_145 : i32
      %dma_wait3A_147 = arith.constant 1 : i32
      %dma_wait3A_148 = arith.constant 56 : i32
      %dma_wait3A_149 = arith.constant 0 : i32
      %dma_wait3A_150 = tpu.memref_slice %arg6[%dma_wait3A_148, %dma_wait3A_149] : memref<448x128xf32, #tpu.memory_space<vmem>> -> memref<50x128xf32, #tpu.memory_space<vmem>>
      %dma_wait3A_151 = arith.constant 0 : i32
      %dma_wait3A_152 = tpu.memref_slice %arg5[%add3A_146, %dma_wait3A_151] : memref<512x50xi32, #tpu.memory_space<vmem>> -> memref<1x50xi32, #tpu.memory_space<vmem>>
      %dma_wait3A_153 = tpu.memref_squeeze %dma_wait3A_152 : memref<1x50xi32, #tpu.memory_space<vmem>> -> memref<50xi32, #tpu.memory_space<vmem>>
      %dma_wait3A_154 = arith.constant 0 : i32
      %dma_wait3A_155 = arith.constant 0 : i32
      %dma_wait3A_156 = tpu.memref_slice %arg2[%dma_wait3A_154, %dma_wait3A_155] : memref<1000000x128xf32, #tpu.memory_space<hbm>> -> memref<1000000x128xf32, #tpu.memory_space<hbm>>
      %dma_wait3A_157 = tpu.memref_slice %arg7[%dma_wait3A_147] : memref<8x!tpu.dma_semaphore, #tpu.memory_space<semaphore_mem>> -> memref<1x!tpu.dma_semaphore, #tpu.memory_space<semaphore_mem>>
      %dma_wait3A_158 = tpu.memref_squeeze %dma_wait3A_157 : memref<1x!tpu.dma_semaphore, #tpu.memory_space<semaphore_mem>> -> memref<!tpu.dma_semaphore, #tpu.memory_space<semaphore_mem>>
      tpu.wait_indirect_dma semaphore(%dma_wait3A_158 : memref<!tpu.dma_semaphore, #tpu.memory_space<semaphore_mem>>) src(%dma_wait3A_156 : memref<1000000x128xf32, #tpu.memory_space<hbm>>) dst(%dma_wait3A_150 : memref<50x128xf32, #tpu.memory_space<vmem>>)
      %add3A_159 = arith.addi %mul3A_2, %add3A_146 : i32
      %mul3A_160 = arith.constant 56 : i32
      %mul3A_161 = arith.muli %add3A_159, %mul3A_160 : i32
      %dma_start3A_162 = arith.constant 1 : i32
      %dma_start3A_163 = arith.constant 56 : i32
      %dma_start3A_164 = arith.constant 0 : i32
      %dma_start3A_165 = tpu.memref_slice %arg6[%dma_start3A_163, %dma_start3A_164] : memref<448x128xf32, #tpu.memory_space<vmem>> -> memref<56x128xf32, #tpu.memory_space<vmem>>
      %dma_start3A_166 = arith.constant 0 : i32
      %dma_start3A_167 = tpu.memref_slice %arg4[%mul3A_161, %dma_start3A_166] : memref<917504x128xf32, #tpu.memory_space<hbm>> -> memref<56x128xf32, #tpu.memory_space<hbm>>
      %dma_start3A_168 = tpu.memref_slice %arg8[%dma_start3A_162] : memref<8x!tpu.dma_semaphore, #tpu.memory_space<semaphore_mem>> -> memref<1x!tpu.dma_semaphore, #tpu.memory_space<semaphore_mem>>
      %dma_start3A_169 = tpu.memref_squeeze %dma_start3A_168 : memref<1x!tpu.dma_semaphore, #tpu.memory_space<semaphore_mem>> -> memref<!tpu.dma_semaphore, #tpu.memory_space<semaphore_mem>>
      %dma_start3A_170 = arith.constant 0 : i32
      %dma_start3A_171 = tpu.memref_slice %arg4[%mul3A_161, %dma_start3A_170] : memref<917504x128xf32, #tpu.memory_space<hbm>> -> memref<56x128xf32, #tpu.memory_space<hbm>>
      %dma_start3A_172 = arith.constant 56 : i32
      %dma_start3A_173 = arith.constant 0 : i32
      %dma_start3A_174 = tpu.memref_slice %arg6[%dma_start3A_172, %dma_start3A_173] : memref<448x128xf32, #tpu.memory_space<vmem>> -> memref<56x128xf32, #tpu.memory_space<vmem>>
      tpu.enqueue_dma source(%dma_start3A_174 : memref<56x128xf32, #tpu.memory_space<vmem>>) target(%dma_start3A_171 : memref<56x128xf32, #tpu.memory_space<hbm>>) target_semaphore(%dma_start3A_169 : memref<!tpu.dma_semaphore, #tpu.memory_space<semaphore_mem>>)
      %mul3A_175 = arith.constant 8 : i32
      %mul3A_176 = arith.muli %scan3A_111, %mul3A_175 : i32
      %add3A_177 = arith.constant 2 : i32
      %add3A_178 = arith.addi %mul3A_176, %add3A_177 : i32
      %dma_wait3A_179 = arith.constant 2 : i32
      %dma_wait3A_180 = arith.constant 112 : i32
      %dma_wait3A_181 = arith.constant 0 : i32
      %dma_wait3A_182 = tpu.memref_slice %arg6[%dma_wait3A_180, %dma_wait3A_181] : memref<448x128xf32, #tpu.memory_space<vmem>> -> memref<50x128xf32, #tpu.memory_space<vmem>>
      %dma_wait3A_183 = arith.constant 0 : i32
      %dma_wait3A_184 = tpu.memref_slice %arg5[%add3A_178, %dma_wait3A_183] : memref<512x50xi32, #tpu.memory_space<vmem>> -> memref<1x50xi32, #tpu.memory_space<vmem>>
      %dma_wait3A_185 = tpu.memref_squeeze %dma_wait3A_184 : memref<1x50xi32, #tpu.memory_space<vmem>> -> memref<50xi32, #tpu.memory_space<vmem>>
      %dma_wait3A_186 = arith.constant 0 : i32
      %dma_wait3A_187 = arith.constant 0 : i32
      %dma_wait3A_188 = tpu.memref_slice %arg2[%dma_wait3A_186, %dma_wait3A_187] : memref<1000000x128xf32, #tpu.memory_space<hbm>> -> memref<1000000x128xf32, #tpu.memory_space<hbm>>
      %dma_wait3A_189 = tpu.memref_slice %arg7[%dma_wait3A_179] : memref<8x!tpu.dma_semaphore, #tpu.memory_space<semaphore_mem>> -> memref<1x!tpu.dma_semaphore, #tpu.memory_space<semaphore_mem>>
      %dma_wait3A_190 = tpu.memref_squeeze %dma_wait3A_189 : memref<1x!tpu.dma_semaphore, #tpu.memory_space<semaphore_mem>> -> memref<!tpu.dma_semaphore, #tpu.memory_space<semaphore_mem>>
      tpu.wait_indirect_dma semaphore(%dma_wait3A_190 : memref<!tpu.dma_semaphore, #tpu.memory_space<semaphore_mem>>) src(%dma_wait3A_188 : memref<1000000x128xf32, #tpu.memory_space<hbm>>) dst(%dma_wait3A_182 : memref<50x128xf32, #tpu.memory_space<vmem>>)
      %add3A_191 = arith.addi %mul3A_2, %add3A_178 : i32
      %mul3A_192 = arith.constant 56 : i32
      %mul3A_193 = arith.muli %add3A_191, %mul3A_192 : i32
      %dma_start3A_194 = arith.constant 2 : i32
      %dma_start3A_195 = arith.constant 112 : i32
      %dma_start3A_196 = arith.constant 0 : i32
      %dma_start3A_197 = tpu.memref_slice %arg6[%dma_start3A_195, %dma_start3A_196] : memref<448x128xf32, #tpu.memory_space<vmem>> -> memref<56x128xf32, #tpu.memory_space<vmem>>
      %dma_start3A_198 = arith.constant 0 : i32
      %dma_start3A_199 = tpu.memref_slice %arg4[%mul3A_193, %dma_start3A_198] : memref<917504x128xf32, #tpu.memory_space<hbm>> -> memref<56x128xf32, #tpu.memory_space<hbm>>
      %dma_start3A_200 = tpu.memref_slice %arg8[%dma_start3A_194] : memref<8x!tpu.dma_semaphore, #tpu.memory_space<semaphore_mem>> -> memref<1x!tpu.dma_semaphore, #tpu.memory_space<semaphore_mem>>
      %dma_start3A_201 = tpu.memref_squeeze %dma_start3A_200 : memref<1x!tpu.dma_semaphore, #tpu.memory_space<semaphore_mem>> -> memref<!tpu.dma_semaphore, #tpu.memory_space<semaphore_mem>>
      %dma_start3A_202 = arith.constant 0 : i32
      %dma_start3A_203 = tpu.memref_slice %arg4[%mul3A_193, %dma_start3A_202] : memref<917504x128xf32, #tpu.memory_space<hbm>> -> memref<56x128xf32, #tpu.memory_space<hbm>>
      %dma_start3A_204 = arith.constant 112 : i32
      %dma_start3A_205 = arith.constant 0 : i32
      %dma_start3A_206 = tpu.memref_slice %arg6[%dma_start3A_204, %dma_start3A_205] : memref<448x128xf32, #tpu.memory_space<vmem>> -> memref<56x128xf32, #tpu.memory_space<vmem>>
      tpu.enqueue_dma source(%dma_start3A_206 : memref<56x128xf32, #tpu.memory_space<vmem>>) target(%dma_start3A_203 : memref<56x128xf32, #tpu.memory_space<hbm>>) target_semaphore(%dma_start3A_201 : memref<!tpu.dma_semaphore, #tpu.memory_space<semaphore_mem>>)
      %mul3A_207 = arith.constant 8 : i32
      %mul3A_208 = arith.muli %scan3A_111, %mul3A_207 : i32
      %add3A_209 = arith.constant 3 : i32
      %add3A_210 = arith.addi %mul3A_208, %add3A_209 : i32
      %dma_wait3A_211 = arith.constant 3 : i32
      %dma_wait3A_212 = arith.constant 168 : i32
      %dma_wait3A_213 = arith.constant 0 : i32
      %dma_wait3A_214 = tpu.memref_slice %arg6[%dma_wait3A_212, %dma_wait3A_213] : memref<448x128xf32, #tpu.memory_space<vmem>> -> memref<50x128xf32, #tpu.memory_space<vmem>>
      %dma_wait3A_215 = arith.constant 0 : i32
      %dma_wait3A_216 = tpu.memref_slice %arg5[%add3A_210, %dma_wait3A_215] : memref<512x50xi32, #tpu.memory_space<vmem>> -> memref<1x50xi32, #tpu.memory_space<vmem>>
      %dma_wait3A_217 = tpu.memref_squeeze %dma_wait3A_216 : memref<1x50xi32, #tpu.memory_space<vmem>> -> memref<50xi32, #tpu.memory_space<vmem>>
      %dma_wait3A_218 = arith.constant 0 : i32
      %dma_wait3A_219 = arith.constant 0 : i32
      %dma_wait3A_220 = tpu.memref_slice %arg2[%dma_wait3A_218, %dma_wait3A_219] : memref<1000000x128xf32, #tpu.memory_space<hbm>> -> memref<1000000x128xf32, #tpu.memory_space<hbm>>
      %dma_wait3A_221 = tpu.memref_slice %arg7[%dma_wait3A_211] : memref<8x!tpu.dma_semaphore, #tpu.memory_space<semaphore_mem>> -> memref<1x!tpu.dma_semaphore, #tpu.memory_space<semaphore_mem>>
      %dma_wait3A_222 = tpu.memref_squeeze %dma_wait3A_221 : memref<1x!tpu.dma_semaphore, #tpu.memory_space<semaphore_mem>> -> memref<!tpu.dma_semaphore, #tpu.memory_space<semaphore_mem>>
      tpu.wait_indirect_dma semaphore(%dma_wait3A_222 : memref<!tpu.dma_semaphore, #tpu.memory_space<semaphore_mem>>) src(%dma_wait3A_220 : memref<1000000x128xf32, #tpu.memory_space<hbm>>) dst(%dma_wait3A_214 : memref<50x128xf32, #tpu.memory_space<vmem>>)
      %add3A_223 = arith.addi %mul3A_2, %add3A_210 : i32
      %mul3A_224 = arith.constant 56 : i32
      %mul3A_225 = arith.muli %add3A_223, %mul3A_224 : i32
      %dma_start3A_226 = arith.constant 3 : i32
      %dma_start3A_227 = arith.constant 168 : i32
      %dma_start3A_228 = arith.constant 0 : i32
      %dma_start3A_229 = tpu.memref_slice %arg6[%dma_start3A_227, %dma_start3A_228] : memref<448x128xf32, #tpu.memory_space<vmem>> -> memref<56x128xf32, #tpu.memory_space<vmem>>
      %dma_start3A_230 = arith.constant 0 : i32
      %dma_start3A_231 = tpu.memref_slice %arg4[%mul3A_225, %dma_start3A_230] : memref<917504x128xf32, #tpu.memory_space<hbm>> -> memref<56x128xf32, #tpu.memory_space<hbm>>
      %dma_start3A_232 = tpu.memref_slice %arg8[%dma_start3A_226] : memref<8x!tpu.dma_semaphore, #tpu.memory_space<semaphore_mem>> -> memref<1x!tpu.dma_semaphore, #tpu.memory_space<semaphore_mem>>
      %dma_start3A_233 = tpu.memref_squeeze %dma_start3A_232 : memref<1x!tpu.dma_semaphore, #tpu.memory_space<semaphore_mem>> -> memref<!tpu.dma_semaphore, #tpu.memory_space<semaphore_mem>>
      %dma_start3A_234 = arith.constant 0 : i32
      %dma_start3A_235 = tpu.memref_slice %arg4[%mul3A_225, %dma_start3A_234] : memref<917504x128xf32, #tpu.memory_space<hbm>> -> memref<56x128xf32, #tpu.memory_space<hbm>>
      %dma_start3A_236 = arith.constant 168 : i32
      %dma_start3A_237 = arith.constant 0 : i32
      %dma_start3A_238 = tpu.memref_slice %arg6[%dma_start3A_236, %dma_start3A_237] : memref<448x128xf32, #tpu.memory_space<vmem>> -> memref<56x128xf32, #tpu.memory_space<vmem>>
      tpu.enqueue_dma source(%dma_start3A_238 : memref<56x128xf32, #tpu.memory_space<vmem>>) target(%dma_start3A_235 : memref<56x128xf32, #tpu.memory_space<hbm>>) target_semaphore(%dma_start3A_233 : memref<!tpu.dma_semaphore, #tpu.memory_space<semaphore_mem>>)
      %mul3A_239 = arith.constant 8 : i32
      %mul3A_240 = arith.muli %scan3A_111, %mul3A_239 : i32
      %add3A_241 = arith.constant 4 : i32
      %add3A_242 = arith.addi %mul3A_240, %add3A_241 : i32
      %dma_wait3A_243 = arith.constant 4 : i32
      %dma_wait3A_244 = arith.constant 224 : i32
      %dma_wait3A_245 = arith.constant 0 : i32
      %dma_wait3A_246 = tpu.memref_slice %arg6[%dma_wait3A_244, %dma_wait3A_245] : memref<448x128xf32, #tpu.memory_space<vmem>> -> memref<50x128xf32, #tpu.memory_space<vmem>>
      %dma_wait3A_247 = arith.constant 0 : i32
      %dma_wait3A_248 = tpu.memref_slice %arg5[%add3A_242, %dma_wait3A_247] : memref<512x50xi32, #tpu.memory_space<vmem>> -> memref<1x50xi32, #tpu.memory_space<vmem>>
      %dma_wait3A_249 = tpu.memref_squeeze %dma_wait3A_248 : memref<1x50xi32, #tpu.memory_space<vmem>> -> memref<50xi32, #tpu.memory_space<vmem>>
      %dma_wait3A_250 = arith.constant 0 : i32
      %dma_wait3A_251 = arith.constant 0 : i32
      %dma_wait3A_252 = tpu.memref_slice %arg2[%dma_wait3A_250, %dma_wait3A_251] : memref<1000000x128xf32, #tpu.memory_space<hbm>> -> memref<1000000x128xf32, #tpu.memory_space<hbm>>
      %dma_wait3A_253 = tpu.memref_slice %arg7[%dma_wait3A_243] : memref<8x!tpu.dma_semaphore, #tpu.memory_space<semaphore_mem>> -> memref<1x!tpu.dma_semaphore, #tpu.memory_space<semaphore_mem>>
      %dma_wait3A_254 = tpu.memref_squeeze %dma_wait3A_253 : memref<1x!tpu.dma_semaphore, #tpu.memory_space<semaphore_mem>> -> memref<!tpu.dma_semaphore, #tpu.memory_space<semaphore_mem>>
      tpu.wait_indirect_dma semaphore(%dma_wait3A_254 : memref<!tpu.dma_semaphore, #tpu.memory_space<semaphore_mem>>) src(%dma_wait3A_252 : memref<1000000x128xf32, #tpu.memory_space<hbm>>) dst(%dma_wait3A_246 : memref<50x128xf32, #tpu.memory_space<vmem>>)
      %add3A_255 = arith.addi %mul3A_2, %add3A_242 : i32
      %mul3A_256 = arith.constant 56 : i32
      %mul3A_257 = arith.muli %add3A_255, %mul3A_256 : i32
      %dma_start3A_258 = arith.constant 4 : i32
      %dma_start3A_259 = arith.constant 224 : i32
      %dma_start3A_260 = arith.constant 0 : i32
      %dma_start3A_261 = tpu.memref_slice %arg6[%dma_start3A_259, %dma_start3A_260] : memref<448x128xf32, #tpu.memory_space<vmem>> -> memref<56x128xf32, #tpu.memory_space<vmem>>
      %dma_start3A_262 = arith.constant 0 : i32
      %dma_start3A_263 = tpu.memref_slice %arg4[%mul3A_257, %dma_start3A_262] : memref<917504x128xf32, #tpu.memory_space<hbm>> -> memref<56x128xf32, #tpu.memory_space<hbm>>
      %dma_start3A_264 = tpu.memref_slice %arg8[%dma_start3A_258] : memref<8x!tpu.dma_semaphore, #tpu.memory_space<semaphore_mem>> -> memref<1x!tpu.dma_semaphore, #tpu.memory_space<semaphore_mem>>
      %dma_start3A_265 = tpu.memref_squeeze %dma_start3A_264 : memref<1x!tpu.dma_semaphore, #tpu.memory_space<semaphore_mem>> -> memref<!tpu.dma_semaphore, #tpu.memory_space<semaphore_mem>>
      %dma_start3A_266 = arith.constant 0 : i32
      %dma_start3A_267 = tpu.memref_slice %arg4[%mul3A_257, %dma_start3A_266] : memref<917504x128xf32, #tpu.memory_space<hbm>> -> memref<56x128xf32, #tpu.memory_space<hbm>>
      %dma_start3A_268 = arith.constant 224 : i32
      %dma_start3A_269 = arith.constant 0 : i32
      %dma_start3A_270 = tpu.memref_slice %arg6[%dma_start3A_268, %dma_start3A_269] : memref<448x128xf32, #tpu.memory_space<vmem>> -> memref<56x128xf32, #tpu.memory_space<vmem>>
      tpu.enqueue_dma source(%dma_start3A_270 : memref<56x128xf32, #tpu.memory_space<vmem>>) target(%dma_start3A_267 : memref<56x128xf32, #tpu.memory_space<hbm>>) target_semaphore(%dma_start3A_265 : memref<!tpu.dma_semaphore, #tpu.memory_space<semaphore_mem>>)
      %mul3A_271 = arith.constant 8 : i32
      %mul3A_272 = arith.muli %scan3A_111, %mul3A_271 : i32
      %add3A_273 = arith.constant 5 : i32
      %add3A_274 = arith.addi %mul3A_272, %add3A_273 : i32
      %dma_wait3A_275 = arith.constant 5 : i32
      %dma_wait3A_276 = arith.constant 280 : i32
      %dma_wait3A_277 = arith.constant 0 : i32
      %dma_wait3A_278 = tpu.memref_slice %arg6[%dma_wait3A_276, %dma_wait3A_277] : memref<448x128xf32, #tpu.memory_space<vmem>> -> memref<50x128xf32, #tpu.memory_space<vmem>>
      %dma_wait3A_279 = arith.constant 0 : i32
      %dma_wait3A_280 = tpu.memref_slice %arg5[%add3A_274, %dma_wait3A_279] : memref<512x50xi32, #tpu.memory_space<vmem>> -> memref<1x50xi32, #tpu.memory_space<vmem>>
      %dma_wait3A_281 = tpu.memref_squeeze %dma_wait3A_280 : memref<1x50xi32, #tpu.memory_space<vmem>> -> memref<50xi32, #tpu.memory_space<vmem>>
      %dma_wait3A_282 = arith.constant 0 : i32
      %dma_wait3A_283 = arith.constant 0 : i32
      %dma_wait3A_284 = tpu.memref_slice %arg2[%dma_wait3A_282, %dma_wait3A_283] : memref<1000000x128xf32, #tpu.memory_space<hbm>> -> memref<1000000x128xf32, #tpu.memory_space<hbm>>
      %dma_wait3A_285 = tpu.memref_slice %arg7[%dma_wait3A_275] : memref<8x!tpu.dma_semaphore, #tpu.memory_space<semaphore_mem>> -> memref<1x!tpu.dma_semaphore, #tpu.memory_space<semaphore_mem>>
      %dma_wait3A_286 = tpu.memref_squeeze %dma_wait3A_285 : memref<1x!tpu.dma_semaphore, #tpu.memory_space<semaphore_mem>> -> memref<!tpu.dma_semaphore, #tpu.memory_space<semaphore_mem>>
      tpu.wait_indirect_dma semaphore(%dma_wait3A_286 : memref<!tpu.dma_semaphore, #tpu.memory_space<semaphore_mem>>) src(%dma_wait3A_284 : memref<1000000x128xf32, #tpu.memory_space<hbm>>) dst(%dma_wait3A_278 : memref<50x128xf32, #tpu.memory_space<vmem>>)
      %add3A_287 = arith.addi %mul3A_2, %add3A_274 : i32
      %mul3A_288 = arith.constant 56 : i32
      %mul3A_289 = arith.muli %add3A_287, %mul3A_288 : i32
      %dma_start3A_290 = arith.constant 5 : i32
      %dma_start3A_291 = arith.constant 280 : i32
      %dma_start3A_292 = arith.constant 0 : i32
      %dma_start3A_293 = tpu.memref_slice %arg6[%dma_start3A_291, %dma_start3A_292] : memref<448x128xf32, #tpu.memory_space<vmem>> -> memref<56x128xf32, #tpu.memory_space<vmem>>
      %dma_start3A_294 = arith.constant 0 : i32
      %dma_start3A_295 = tpu.memref_slice %arg4[%mul3A_289, %dma_start3A_294] : memref<917504x128xf32, #tpu.memory_space<hbm>> -> memref<56x128xf32, #tpu.memory_space<hbm>>
      %dma_start3A_296 = tpu.memref_slice %arg8[%dma_start3A_290] : memref<8x!tpu.dma_semaphore, #tpu.memory_space<semaphore_mem>> -> memref<1x!tpu.dma_semaphore, #tpu.memory_space<semaphore_mem>>
      %dma_start3A_297 = tpu.memref_squeeze %dma_start3A_296 : memref<1x!tpu.dma_semaphore, #tpu.memory_space<semaphore_mem>> -> memref<!tpu.dma_semaphore, #tpu.memory_space<semaphore_mem>>
      %dma_start3A_298 = arith.constant 0 : i32
      %dma_start3A_299 = tpu.memref_slice %arg4[%mul3A_289, %dma_start3A_298] : memref<917504x128xf32, #tpu.memory_space<hbm>> -> memref<56x128xf32, #tpu.memory_space<hbm>>
      %dma_start3A_300 = arith.constant 280 : i32
      %dma_start3A_301 = arith.constant 0 : i32
      %dma_start3A_302 = tpu.memref_slice %arg6[%dma_start3A_300, %dma_start3A_301] : memref<448x128xf32, #tpu.memory_space<vmem>> -> memref<56x128xf32, #tpu.memory_space<vmem>>
      tpu.enqueue_dma source(%dma_start3A_302 : memref<56x128xf32, #tpu.memory_space<vmem>>) target(%dma_start3A_299 : memref<56x128xf32, #tpu.memory_space<hbm>>) target_semaphore(%dma_start3A_297 : memref<!tpu.dma_semaphore, #tpu.memory_space<semaphore_mem>>)
      %mul3A_303 = arith.constant 8 : i32
      %mul3A_304 = arith.muli %scan3A_111, %mul3A_303 : i32
      %add3A_305 = arith.constant 6 : i32
      %add3A_306 = arith.addi %mul3A_304, %add3A_305 : i32
      %dma_wait3A_307 = arith.constant 6 : i32
      %dma_wait3A_308 = arith.constant 336 : i32
      %dma_wait3A_309 = arith.constant 0 : i32
      %dma_wait3A_310 = tpu.memref_slice %arg6[%dma_wait3A_308, %dma_wait3A_309] : memref<448x128xf32, #tpu.memory_space<vmem>> -> memref<50x128xf32, #tpu.memory_space<vmem>>
      %dma_wait3A_311 = arith.constant 0 : i32
      %dma_wait3A_312 = tpu.memref_slice %arg5[%add3A_306, %dma_wait3A_311] : memref<512x50xi32, #tpu.memory_space<vmem>> -> memref<1x50xi32, #tpu.memory_space<vmem>>
      %dma_wait3A_313 = tpu.memref_squeeze %dma_wait3A_312 : memref<1x50xi32, #tpu.memory_space<vmem>> -> memref<50xi32, #tpu.memory_space<vmem>>
      %dma_wait3A_314 = arith.constant 0 : i32
      %dma_wait3A_315 = arith.constant 0 : i32
      %dma_wait3A_316 = tpu.memref_slice %arg2[%dma_wait3A_314, %dma_wait3A_315] : memref<1000000x128xf32, #tpu.memory_space<hbm>> -> memref<1000000x128xf32, #tpu.memory_space<hbm>>
      %dma_wait3A_317 = tpu.memref_slice %arg7[%dma_wait3A_307] : memref<8x!tpu.dma_semaphore, #tpu.memory_space<semaphore_mem>> -> memref<1x!tpu.dma_semaphore, #tpu.memory_space<semaphore_mem>>
      %dma_wait3A_318 = tpu.memref_squeeze %dma_wait3A_317 : memref<1x!tpu.dma_semaphore, #tpu.memory_space<semaphore_mem>> -> memref<!tpu.dma_semaphore, #tpu.memory_space<semaphore_mem>>
      tpu.wait_indirect_dma semaphore(%dma_wait3A_318 : memref<!tpu.dma_semaphore, #tpu.memory_space<semaphore_mem>>) src(%dma_wait3A_316 : memref<1000000x128xf32, #tpu.memory_space<hbm>>) dst(%dma_wait3A_310 : memref<50x128xf32, #tpu.memory_space<vmem>>)
      %add3A_319 = arith.addi %mul3A_2, %add3A_306 : i32
      %mul3A_320 = arith.constant 56 : i32
      %mul3A_321 = arith.muli %add3A_319, %mul3A_320 : i32
      %dma_start3A_322 = arith.constant 6 : i32
      %dma_start3A_323 = arith.constant 336 : i32
      %dma_start3A_324 = arith.constant 0 : i32
      %dma_start3A_325 = tpu.memref_slice %arg6[%dma_start3A_323, %dma_start3A_324] : memref<448x128xf32, #tpu.memory_space<vmem>> -> memref<56x128xf32, #tpu.memory_space<vmem>>
      %dma_start3A_326 = arith.constant 0 : i32
      %dma_start3A_327 = tpu.memref_slice %arg4[%mul3A_321, %dma_start3A_326] : memref<917504x128xf32, #tpu.memory_space<hbm>> -> memref<56x128xf32, #tpu.memory_space<hbm>>
      %dma_start3A_328 = tpu.memref_slice %arg8[%dma_start3A_322] : memref<8x!tpu.dma_semaphore, #tpu.memory_space<semaphore_mem>> -> memref<1x!tpu.dma_semaphore, #tpu.memory_space<semaphore_mem>>
      %dma_start3A_329 = tpu.memref_squeeze %dma_start3A_328 : memref<1x!tpu.dma_semaphore, #tpu.memory_space<semaphore_mem>> -> memref<!tpu.dma_semaphore, #tpu.memory_space<semaphore_mem>>
      %dma_start3A_330 = arith.constant 0 : i32
      %dma_start3A_331 = tpu.memref_slice %arg4[%mul3A_321, %dma_start3A_330] : memref<917504x128xf32, #tpu.memory_space<hbm>> -> memref<56x128xf32, #tpu.memory_space<hbm>>
      %dma_start3A_332 = arith.constant 336 : i32
      %dma_start3A_333 = arith.constant 0 : i32
      %dma_start3A_334 = tpu.memref_slice %arg6[%dma_start3A_332, %dma_start3A_333] : memref<448x128xf32, #tpu.memory_space<vmem>> -> memref<56x128xf32, #tpu.memory_space<vmem>>
      tpu.enqueue_dma source(%dma_start3A_334 : memref<56x128xf32, #tpu.memory_space<vmem>>) target(%dma_start3A_331 : memref<56x128xf32, #tpu.memory_space<hbm>>) target_semaphore(%dma_start3A_329 : memref<!tpu.dma_semaphore, #tpu.memory_space<semaphore_mem>>)
      %mul3A_335 = arith.constant 8 : i32
      %mul3A_336 = arith.muli %scan3A_111, %mul3A_335 : i32
      %add3A_337 = arith.constant 7 : i32
      %add3A_338 = arith.addi %mul3A_336, %add3A_337 : i32
      %dma_wait3A_339 = arith.constant 7 : i32
      %dma_wait3A_340 = arith.constant 392 : i32
      %dma_wait3A_341 = arith.constant 0 : i32
      %dma_wait3A_342 = tpu.memref_slice %arg6[%dma_wait3A_340, %dma_wait3A_341] : memref<448x128xf32, #tpu.memory_space<vmem>> -> memref<50x128xf32, #tpu.memory_space<vmem>>
      %dma_wait3A_343 = arith.constant 0 : i32
      %dma_wait3A_344 = tpu.memref_slice %arg5[%add3A_338, %dma_wait3A_343] : memref<512x50xi32, #tpu.memory_space<vmem>> -> memref<1x50xi32, #tpu.memory_space<vmem>>
      %dma_wait3A_345 = tpu.memref_squeeze %dma_wait3A_344 : memref<1x50xi32, #tpu.memory_space<vmem>> -> memref<50xi32, #tpu.memory_space<vmem>>
      %dma_wait3A_346 = arith.constant 0 : i32
      %dma_wait3A_347 = arith.constant 0 : i32
      %dma_wait3A_348 = tpu.memref_slice %arg2[%dma_wait3A_346, %dma_wait3A_347] : memref<1000000x128xf32, #tpu.memory_space<hbm>> -> memref<1000000x128xf32, #tpu.memory_space<hbm>>
      %dma_wait3A_349 = tpu.memref_slice %arg7[%dma_wait3A_339] : memref<8x!tpu.dma_semaphore, #tpu.memory_space<semaphore_mem>> -> memref<1x!tpu.dma_semaphore, #tpu.memory_space<semaphore_mem>>
      %dma_wait3A_350 = tpu.memref_squeeze %dma_wait3A_349 : memref<1x!tpu.dma_semaphore, #tpu.memory_space<semaphore_mem>> -> memref<!tpu.dma_semaphore, #tpu.memory_space<semaphore_mem>>
      tpu.wait_indirect_dma semaphore(%dma_wait3A_350 : memref<!tpu.dma_semaphore, #tpu.memory_space<semaphore_mem>>) src(%dma_wait3A_348 : memref<1000000x128xf32, #tpu.memory_space<hbm>>) dst(%dma_wait3A_342 : memref<50x128xf32, #tpu.memory_space<vmem>>)
      %add3A_351 = arith.addi %mul3A_2, %add3A_338 : i32
      %mul3A_352 = arith.constant 56 : i32
      %mul3A_353 = arith.muli %add3A_351, %mul3A_352 : i32
      %dma_start3A_354 = arith.constant 7 : i32
      %dma_start3A_355 = arith.constant 392 : i32
      %dma_start3A_356 = arith.constant 0 : i32
      %dma_start3A_357 = tpu.memref_slice %arg6[%dma_start3A_355, %dma_start3A_356] : memref<448x128xf32, #tpu.memory_space<vmem>> -> memref<56x128xf32, #tpu.memory_space<vmem>>
      %dma_start3A_358 = arith.constant 0 : i32
      %dma_start3A_359 = tpu.memref_slice %arg4[%mul3A_353, %dma_start3A_358] : memref<917504x128xf32, #tpu.memory_space<hbm>> -> memref<56x128xf32, #tpu.memory_space<hbm>>
      %dma_start3A_360 = tpu.memref_slice %arg8[%dma_start3A_354] : memref<8x!tpu.dma_semaphore, #tpu.memory_space<semaphore_mem>> -> memref<1x!tpu.dma_semaphore, #tpu.memory_space<semaphore_mem>>
      %dma_start3A_361 = tpu.memref_squeeze %dma_start3A_360 : memref<1x!tpu.dma_semaphore, #tpu.memory_space<semaphore_mem>> -> memref<!tpu.dma_semaphore, #tpu.memory_space<semaphore_mem>>
      %dma_start3A_362 = arith.constant 0 : i32
      %dma_start3A_363 = tpu.memref_slice %arg4[%mul3A_353, %dma_start3A_362] : memref<917504x128xf32, #tpu.memory_space<hbm>> -> memref<56x128xf32, #tpu.memory_space<hbm>>
      %dma_start3A_364 = arith.constant 392 : i32
      %dma_start3A_365 = arith.constant 0 : i32
      %dma_start3A_366 = tpu.memref_slice %arg6[%dma_start3A_364, %dma_start3A_365] : memref<448x128xf32, #tpu.memory_space<vmem>> -> memref<56x128xf32, #tpu.memory_space<vmem>>
      tpu.enqueue_dma source(%dma_start3A_366 : memref<56x128xf32, #tpu.memory_space<vmem>>) target(%dma_start3A_363 : memref<56x128xf32, #tpu.memory_space<hbm>>) target_semaphore(%dma_start3A_361 : memref<!tpu.dma_semaphore, #tpu.memory_space<semaphore_mem>>)
      %mul3A_367 = arith.constant 8 : i32
      %mul3A_368 = arith.muli %scan3A_111, %mul3A_367 : i32
      %add3A_369 = arith.constant 0 : i32
      %add3A_370 = arith.addi %mul3A_368, %add3A_369 : i32
      %add3A_371 = arith.addi %mul3A_2, %add3A_370 : i32
      %mul3A_372 = arith.constant 56 : i32
      %mul3A_373 = arith.muli %add3A_371, %mul3A_372 : i32
      %dma_wait3A_374 = arith.constant 0 : i32
      %dma_wait3A_375 = arith.constant 0 : i32
      %dma_wait3A_376 = arith.constant 0 : i32
      %dma_wait3A_377 = tpu.memref_slice %arg6[%dma_wait3A_375, %dma_wait3A_376] : memref<448x128xf32, #tpu.memory_space<vmem>> -> memref<56x128xf32, #tpu.memory_space<vmem>>
      %dma_wait3A_378 = arith.constant 0 : i32
      %dma_wait3A_379 = tpu.memref_slice %arg4[%mul3A_373, %dma_wait3A_378] : memref<917504x128xf32, #tpu.memory_space<hbm>> -> memref<56x128xf32, #tpu.memory_space<hbm>>
      %dma_wait3A_380 = tpu.memref_slice %arg8[%dma_wait3A_374] : memref<8x!tpu.dma_semaphore, #tpu.memory_space<semaphore_mem>> -> memref<1x!tpu.dma_semaphore, #tpu.memory_space<semaphore_mem>>
      %dma_wait3A_381 = tpu.memref_squeeze %dma_wait3A_380 : memref<1x!tpu.dma_semaphore, #tpu.memory_space<semaphore_mem>> -> memref<!tpu.dma_semaphore, #tpu.memory_space<semaphore_mem>>
      %dma_wait3A_382 = arith.constant 0 : i32
      %dma_wait3A_383 = tpu.memref_slice %arg4[%mul3A_373, %dma_wait3A_382] : memref<917504x128xf32, #tpu.memory_space<hbm>> -> memref<56x128xf32, #tpu.memory_space<hbm>>
      %dma_wait3A_384 = arith.constant 0 : i32
      %dma_wait3A_385 = arith.constant 0 : i32
      %dma_wait3A_386 = tpu.memref_slice %arg6[%dma_wait3A_384, %dma_wait3A_385] : memref<448x128xf32, #tpu.memory_space<vmem>> -> memref<56x128xf32, #tpu.memory_space<vmem>>
      tpu.wait_dma2 semaphore(%dma_wait3A_381 : memref<!tpu.dma_semaphore, #tpu.memory_space<semaphore_mem>>) src(%dma_wait3A_386 : memref<56x128xf32, #tpu.memory_space<vmem>>) dst(%dma_wait3A_383 : memref<56x128xf32, #tpu.memory_space<hbm>>)
      %lt3A = arith.constant 63 : i32
      %lt3A_387 = arith.cmpi slt, %scan3A_111, %lt3A : i32
      %convert_element_type3A = arith.extui %lt3A_387 : i1 to i32
      %cond3A = arith.constant 0 : i32
      %cond3A_388 = arith.cmpi ne, %convert_element_type3A, %cond3A : i32
      scf.if %cond3A_388 {
        %add3A_564 = arith.constant 1 : i32
        %add3A_565 = arith.addi %scan3A_111, %add3A_564 : i32
        %mul3A_566 = arith.constant 8 : i32
        %mul3A_567 = arith.muli %add3A_565, %mul3A_566 : i32
        %add3A_568 = arith.constant 0 : i32
        %add3A_569 = arith.addi %mul3A_567, %add3A_568 : i32
        %dma_start3A_570 = arith.constant 0 : i32
        %dma_start3A_571 = arith.constant 0 : i32
        %dma_start3A_572 = arith.constant 0 : i32
        %dma_start3A_573 = tpu.memref_slice %arg6[%dma_start3A_571, %dma_start3A_572] : memref<448x128xf32, #tpu.memory_space<vmem>> -> memref<50x128xf32, #tpu.memory_space<vmem>>
        %dma_start3A_574 = arith.constant 0 : i32
        %dma_start3A_575 = tpu.memref_slice %arg5[%add3A_569, %dma_start3A_574] : memref<512x50xi32, #tpu.memory_space<vmem>> -> memref<1x50xi32, #tpu.memory_space<vmem>>
        %dma_start3A_576 = tpu.memref_squeeze %dma_start3A_575 : memref<1x50xi32, #tpu.memory_space<vmem>> -> memref<50xi32, #tpu.memory_space<vmem>>
        %dma_start3A_577 = arith.constant 0 : i32
        %dma_start3A_578 = arith.constant 0 : i32
        %dma_start3A_579 = tpu.memref_slice %arg2[%dma_start3A_577, %dma_start3A_578] : memref<1000000x128xf32, #tpu.memory_space<hbm>> -> memref<1000000x128xf32, #tpu.memory_space<hbm>>
        %dma_start3A_580 = tpu.memref_slice %arg7[%dma_start3A_570] : memref<8x!tpu.dma_semaphore, #tpu.memory_space<semaphore_mem>> -> memref<1x!tpu.dma_semaphore, #tpu.memory_space<semaphore_mem>>
        %dma_start3A_581 = tpu.memref_squeeze %dma_start3A_580 : memref<1x!tpu.dma_semaphore, #tpu.memory_space<semaphore_mem>> -> memref<!tpu.dma_semaphore, #tpu.memory_space<semaphore_mem>>
        tpu.enqueue_indirect_dma source(%dma_start3A_579 : memref<1000000x128xf32, #tpu.memory_space<hbm>>) target(%dma_start3A_573 : memref<50x128xf32, #tpu.memory_space<vmem>>) offsets(%dma_start3A_576 : memref<50xi32, #tpu.memory_space<vmem>>) semaphore(%dma_start3A_581 : memref<!tpu.dma_semaphore, #tpu.memory_space<semaphore_mem>>)
      } else {
      }
      %mul3A_389 = arith.constant 8 : i32
      %mul3A_390 = arith.muli %scan3A_111, %mul3A_389 : i32
      %add3A_391 = arith.constant 1 : i32
      %add3A_392 = arith.addi %mul3A_390, %add3A_391 : i32
      %add3A_393 = arith.addi %mul3A_2, %add3A_392 : i32
      %mul3A_394 = arith.constant 56 : i32
      %mul3A_395 = arith.muli %add3A_393, %mul3A_394 : i32
      %dma_wait3A_396 = arith.constant 1 : i32
      %dma_wait3A_397 = arith.constant 56 : i32
      %dma_wait3A_398 = arith.constant 0 : i32
      %dma_wait3A_399 = tpu.memref_slice %arg6[%dma_wait3A_397, %dma_wait3A_398] : memref<448x128xf32, #tpu.memory_space<vmem>> -> memref<56x128xf32, #tpu.memory_space<vmem>>
      %dma_wait3A_400 = arith.constant 0 : i32
      %dma_wait3A_401 = tpu.memref_slice %arg4[%mul3A_395, %dma_wait3A_400] : memref<917504x128xf32, #tpu.memory_space<hbm>> -> memref<56x128xf32, #tpu.memory_space<hbm>>
      %dma_wait3A_402 = tpu.memref_slice %arg8[%dma_wait3A_396] : memref<8x!tpu.dma_semaphore, #tpu.memory_space<semaphore_mem>> -> memref<1x!tpu.dma_semaphore, #tpu.memory_space<semaphore_mem>>
      %dma_wait3A_403 = tpu.memref_squeeze %dma_wait3A_402 : memref<1x!tpu.dma_semaphore, #tpu.memory_space<semaphore_mem>> -> memref<!tpu.dma_semaphore, #tpu.memory_space<semaphore_mem>>
      %dma_wait3A_404 = arith.constant 0 : i32
      %dma_wait3A_405 = tpu.memref_slice %arg4[%mul3A_395, %dma_wait3A_404] : memref<917504x128xf32, #tpu.memory_space<hbm>> -> memref<56x128xf32, #tpu.memory_space<hbm>>
      %dma_wait3A_406 = arith.constant 56 : i32
      %dma_wait3A_407 = arith.constant 0 : i32
      %dma_wait3A_408 = tpu.memref_slice %arg6[%dma_wait3A_406, %dma_wait3A_407] : memref<448x128xf32, #tpu.memory_space<vmem>> -> memref<56x128xf32, #tpu.memory_space<vmem>>
      tpu.wait_dma2 semaphore(%dma_wait3A_403 : memref<!tpu.dma_semaphore, #tpu.memory_space<semaphore_mem>>) src(%dma_wait3A_408 : memref<56x128xf32, #tpu.memory_space<vmem>>) dst(%dma_wait3A_405 : memref<56x128xf32, #tpu.memory_space<hbm>>)
      %lt3A_409 = arith.constant 63 : i32
      %lt3A_410 = arith.cmpi slt, %scan3A_111, %lt3A_409 : i32
      %convert_element_type3A_411 = arith.extui %lt3A_410 : i1 to i32
      %cond3A_412 = arith.constant 0 : i32
      %cond3A_413 = arith.cmpi ne, %convert_element_type3A_411, %cond3A_412 : i32
      scf.if %cond3A_413 {
        %add3A_564 = arith.constant 1 : i32
        %add3A_565 = arith.addi %scan3A_111, %add3A_564 : i32
        %mul3A_566 = arith.constant 8 : i32
        %mul3A_567 = arith.muli %add3A_565, %mul3A_566 : i32
        %add3A_568 = arith.constant 1 : i32
        %add3A_569 = arith.addi %mul3A_567, %add3A_568 : i32
        %dma_start3A_570 = arith.constant 1 : i32
        %dma_start3A_571 = arith.constant 56 : i32
        %dma_start3A_572 = arith.constant 0 : i32
        %dma_start3A_573 = tpu.memref_slice %arg6[%dma_start3A_571, %dma_start3A_572] : memref<448x128xf32, #tpu.memory_space<vmem>> -> memref<50x128xf32, #tpu.memory_space<vmem>>
        %dma_start3A_574 = arith.constant 0 : i32
        %dma_start3A_575 = tpu.memref_slice %arg5[%add3A_569, %dma_start3A_574] : memref<512x50xi32, #tpu.memory_space<vmem>> -> memref<1x50xi32, #tpu.memory_space<vmem>>
        %dma_start3A_576 = tpu.memref_squeeze %dma_start3A_575 : memref<1x50xi32, #tpu.memory_space<vmem>> -> memref<50xi32, #tpu.memory_space<vmem>>
        %dma_start3A_577 = arith.constant 0 : i32
        %dma_start3A_578 = arith.constant 0 : i32
        %dma_start3A_579 = tpu.memref_slice %arg2[%dma_start3A_577, %dma_start3A_578] : memref<1000000x128xf32, #tpu.memory_space<hbm>> -> memref<1000000x128xf32, #tpu.memory_space<hbm>>
        %dma_start3A_580 = tpu.memref_slice %arg7[%dma_start3A_570] : memref<8x!tpu.dma_semaphore, #tpu.memory_space<semaphore_mem>> -> memref<1x!tpu.dma_semaphore, #tpu.memory_space<semaphore_mem>>
        %dma_start3A_581 = tpu.memref_squeeze %dma_start3A_580 : memref<1x!tpu.dma_semaphore, #tpu.memory_space<semaphore_mem>> -> memref<!tpu.dma_semaphore, #tpu.memory_space<semaphore_mem>>
        tpu.enqueue_indirect_dma source(%dma_start3A_579 : memref<1000000x128xf32, #tpu.memory_space<hbm>>) target(%dma_start3A_573 : memref<50x128xf32, #tpu.memory_space<vmem>>) offsets(%dma_start3A_576 : memref<50xi32, #tpu.memory_space<vmem>>) semaphore(%dma_start3A_581 : memref<!tpu.dma_semaphore, #tpu.memory_space<semaphore_mem>>)
      } else {
      }
      %mul3A_414 = arith.constant 8 : i32
      %mul3A_415 = arith.muli %scan3A_111, %mul3A_414 : i32
      %add3A_416 = arith.constant 2 : i32
      %add3A_417 = arith.addi %mul3A_415, %add3A_416 : i32
      %add3A_418 = arith.addi %mul3A_2, %add3A_417 : i32
      %mul3A_419 = arith.constant 56 : i32
      %mul3A_420 = arith.muli %add3A_418, %mul3A_419 : i32
      %dma_wait3A_421 = arith.constant 2 : i32
      %dma_wait3A_422 = arith.constant 112 : i32
      %dma_wait3A_423 = arith.constant 0 : i32
      %dma_wait3A_424 = tpu.memref_slice %arg6[%dma_wait3A_422, %dma_wait3A_423] : memref<448x128xf32, #tpu.memory_space<vmem>> -> memref<56x128xf32, #tpu.memory_space<vmem>>
      %dma_wait3A_425 = arith.constant 0 : i32
      %dma_wait3A_426 = tpu.memref_slice %arg4[%mul3A_420, %dma_wait3A_425] : memref<917504x128xf32, #tpu.memory_space<hbm>> -> memref<56x128xf32, #tpu.memory_space<hbm>>
      %dma_wait3A_427 = tpu.memref_slice %arg8[%dma_wait3A_421] : memref<8x!tpu.dma_semaphore, #tpu.memory_space<semaphore_mem>> -> memref<1x!tpu.dma_semaphore, #tpu.memory_space<semaphore_mem>>
      %dma_wait3A_428 = tpu.memref_squeeze %dma_wait3A_427 : memref<1x!tpu.dma_semaphore, #tpu.memory_space<semaphore_mem>> -> memref<!tpu.dma_semaphore, #tpu.memory_space<semaphore_mem>>
      %dma_wait3A_429 = arith.constant 0 : i32
      %dma_wait3A_430 = tpu.memref_slice %arg4[%mul3A_420, %dma_wait3A_429] : memref<917504x128xf32, #tpu.memory_space<hbm>> -> memref<56x128xf32, #tpu.memory_space<hbm>>
      %dma_wait3A_431 = arith.constant 112 : i32
      %dma_wait3A_432 = arith.constant 0 : i32
      %dma_wait3A_433 = tpu.memref_slice %arg6[%dma_wait3A_431, %dma_wait3A_432] : memref<448x128xf32, #tpu.memory_space<vmem>> -> memref<56x128xf32, #tpu.memory_space<vmem>>
      tpu.wait_dma2 semaphore(%dma_wait3A_428 : memref<!tpu.dma_semaphore, #tpu.memory_space<semaphore_mem>>) src(%dma_wait3A_433 : memref<56x128xf32, #tpu.memory_space<vmem>>) dst(%dma_wait3A_430 : memref<56x128xf32, #tpu.memory_space<hbm>>)
      %lt3A_434 = arith.constant 63 : i32
      %lt3A_435 = arith.cmpi slt, %scan3A_111, %lt3A_434 : i32
      %convert_element_type3A_436 = arith.extui %lt3A_435 : i1 to i32
      %cond3A_437 = arith.constant 0 : i32
      %cond3A_438 = arith.cmpi ne, %convert_element_type3A_436, %cond3A_437 : i32
      scf.if %cond3A_438 {
        %add3A_564 = arith.constant 1 : i32
        %add3A_565 = arith.addi %scan3A_111, %add3A_564 : i32
        %mul3A_566 = arith.constant 8 : i32
        %mul3A_567 = arith.muli %add3A_565, %mul3A_566 : i32
        %add3A_568 = arith.constant 2 : i32
        %add3A_569 = arith.addi %mul3A_567, %add3A_568 : i32
        %dma_start3A_570 = arith.constant 2 : i32
        %dma_start3A_571 = arith.constant 112 : i32
        %dma_start3A_572 = arith.constant 0 : i32
        %dma_start3A_573 = tpu.memref_slice %arg6[%dma_start3A_571, %dma_start3A_572] : memref<448x128xf32, #tpu.memory_space<vmem>> -> memref<50x128xf32, #tpu.memory_space<vmem>>
        %dma_start3A_574 = arith.constant 0 : i32
        %dma_start3A_575 = tpu.memref_slice %arg5[%add3A_569, %dma_start3A_574] : memref<512x50xi32, #tpu.memory_space<vmem>> -> memref<1x50xi32, #tpu.memory_space<vmem>>
        %dma_start3A_576 = tpu.memref_squeeze %dma_start3A_575 : memref<1x50xi32, #tpu.memory_space<vmem>> -> memref<50xi32, #tpu.memory_space<vmem>>
        %dma_start3A_577 = arith.constant 0 : i32
        %dma_start3A_578 = arith.constant 0 : i32
        %dma_start3A_579 = tpu.memref_slice %arg2[%dma_start3A_577, %dma_start3A_578] : memref<1000000x128xf32, #tpu.memory_space<hbm>> -> memref<1000000x128xf32, #tpu.memory_space<hbm>>
        %dma_start3A_580 = tpu.memref_slice %arg7[%dma_start3A_570] : memref<8x!tpu.dma_semaphore, #tpu.memory_space<semaphore_mem>> -> memref<1x!tpu.dma_semaphore, #tpu.memory_space<semaphore_mem>>
        %dma_start3A_581 = tpu.memref_squeeze %dma_start3A_580 : memref<1x!tpu.dma_semaphore, #tpu.memory_space<semaphore_mem>> -> memref<!tpu.dma_semaphore, #tpu.memory_space<semaphore_mem>>
        tpu.enqueue_indirect_dma source(%dma_start3A_579 : memref<1000000x128xf32, #tpu.memory_space<hbm>>) target(%dma_start3A_573 : memref<50x128xf32, #tpu.memory_space<vmem>>) offsets(%dma_start3A_576 : memref<50xi32, #tpu.memory_space<vmem>>) semaphore(%dma_start3A_581 : memref<!tpu.dma_semaphore, #tpu.memory_space<semaphore_mem>>)
      } else {
      }
      %mul3A_439 = arith.constant 8 : i32
      %mul3A_440 = arith.muli %scan3A_111, %mul3A_439 : i32
      %add3A_441 = arith.constant 3 : i32
      %add3A_442 = arith.addi %mul3A_440, %add3A_441 : i32
      %add3A_443 = arith.addi %mul3A_2, %add3A_442 : i32
      %mul3A_444 = arith.constant 56 : i32
      %mul3A_445 = arith.muli %add3A_443, %mul3A_444 : i32
      %dma_wait3A_446 = arith.constant 3 : i32
      %dma_wait3A_447 = arith.constant 168 : i32
      %dma_wait3A_448 = arith.constant 0 : i32
      %dma_wait3A_449 = tpu.memref_slice %arg6[%dma_wait3A_447, %dma_wait3A_448] : memref<448x128xf32, #tpu.memory_space<vmem>> -> memref<56x128xf32, #tpu.memory_space<vmem>>
      %dma_wait3A_450 = arith.constant 0 : i32
      %dma_wait3A_451 = tpu.memref_slice %arg4[%mul3A_445, %dma_wait3A_450] : memref<917504x128xf32, #tpu.memory_space<hbm>> -> memref<56x128xf32, #tpu.memory_space<hbm>>
      %dma_wait3A_452 = tpu.memref_slice %arg8[%dma_wait3A_446] : memref<8x!tpu.dma_semaphore, #tpu.memory_space<semaphore_mem>> -> memref<1x!tpu.dma_semaphore, #tpu.memory_space<semaphore_mem>>
      %dma_wait3A_453 = tpu.memref_squeeze %dma_wait3A_452 : memref<1x!tpu.dma_semaphore, #tpu.memory_space<semaphore_mem>> -> memref<!tpu.dma_semaphore, #tpu.memory_space<semaphore_mem>>
      %dma_wait3A_454 = arith.constant 0 : i32
      %dma_wait3A_455 = tpu.memref_slice %arg4[%mul3A_445, %dma_wait3A_454] : memref<917504x128xf32, #tpu.memory_space<hbm>> -> memref<56x128xf32, #tpu.memory_space<hbm>>
      %dma_wait3A_456 = arith.constant 168 : i32
      %dma_wait3A_457 = arith.constant 0 : i32
      %dma_wait3A_458 = tpu.memref_slice %arg6[%dma_wait3A_456, %dma_wait3A_457] : memref<448x128xf32, #tpu.memory_space<vmem>> -> memref<56x128xf32, #tpu.memory_space<vmem>>
      tpu.wait_dma2 semaphore(%dma_wait3A_453 : memref<!tpu.dma_semaphore, #tpu.memory_space<semaphore_mem>>) src(%dma_wait3A_458 : memref<56x128xf32, #tpu.memory_space<vmem>>) dst(%dma_wait3A_455 : memref<56x128xf32, #tpu.memory_space<hbm>>)
      %lt3A_459 = arith.constant 63 : i32
      %lt3A_460 = arith.cmpi slt, %scan3A_111, %lt3A_459 : i32
      %convert_element_type3A_461 = arith.extui %lt3A_460 : i1 to i32
      %cond3A_462 = arith.constant 0 : i32
      %cond3A_463 = arith.cmpi ne, %convert_element_type3A_461, %cond3A_462 : i32
      scf.if %cond3A_463 {
        %add3A_564 = arith.constant 1 : i32
        %add3A_565 = arith.addi %scan3A_111, %add3A_564 : i32
        %mul3A_566 = arith.constant 8 : i32
        %mul3A_567 = arith.muli %add3A_565, %mul3A_566 : i32
        %add3A_568 = arith.constant 3 : i32
        %add3A_569 = arith.addi %mul3A_567, %add3A_568 : i32
        %dma_start3A_570 = arith.constant 3 : i32
        %dma_start3A_571 = arith.constant 168 : i32
        %dma_start3A_572 = arith.constant 0 : i32
        %dma_start3A_573 = tpu.memref_slice %arg6[%dma_start3A_571, %dma_start3A_572] : memref<448x128xf32, #tpu.memory_space<vmem>> -> memref<50x128xf32, #tpu.memory_space<vmem>>
        %dma_start3A_574 = arith.constant 0 : i32
        %dma_start3A_575 = tpu.memref_slice %arg5[%add3A_569, %dma_start3A_574] : memref<512x50xi32, #tpu.memory_space<vmem>> -> memref<1x50xi32, #tpu.memory_space<vmem>>
        %dma_start3A_576 = tpu.memref_squeeze %dma_start3A_575 : memref<1x50xi32, #tpu.memory_space<vmem>> -> memref<50xi32, #tpu.memory_space<vmem>>
        %dma_start3A_577 = arith.constant 0 : i32
        %dma_start3A_578 = arith.constant 0 : i32
        %dma_start3A_579 = tpu.memref_slice %arg2[%dma_start3A_577, %dma_start3A_578] : memref<1000000x128xf32, #tpu.memory_space<hbm>> -> memref<1000000x128xf32, #tpu.memory_space<hbm>>
        %dma_start3A_580 = tpu.memref_slice %arg7[%dma_start3A_570] : memref<8x!tpu.dma_semaphore, #tpu.memory_space<semaphore_mem>> -> memref<1x!tpu.dma_semaphore, #tpu.memory_space<semaphore_mem>>
        %dma_start3A_581 = tpu.memref_squeeze %dma_start3A_580 : memref<1x!tpu.dma_semaphore, #tpu.memory_space<semaphore_mem>> -> memref<!tpu.dma_semaphore, #tpu.memory_space<semaphore_mem>>
        tpu.enqueue_indirect_dma source(%dma_start3A_579 : memref<1000000x128xf32, #tpu.memory_space<hbm>>) target(%dma_start3A_573 : memref<50x128xf32, #tpu.memory_space<vmem>>) offsets(%dma_start3A_576 : memref<50xi32, #tpu.memory_space<vmem>>) semaphore(%dma_start3A_581 : memref<!tpu.dma_semaphore, #tpu.memory_space<semaphore_mem>>)
      } else {
      }
      %mul3A_464 = arith.constant 8 : i32
      %mul3A_465 = arith.muli %scan3A_111, %mul3A_464 : i32
      %add3A_466 = arith.constant 4 : i32
      %add3A_467 = arith.addi %mul3A_465, %add3A_466 : i32
      %add3A_468 = arith.addi %mul3A_2, %add3A_467 : i32
      %mul3A_469 = arith.constant 56 : i32
      %mul3A_470 = arith.muli %add3A_468, %mul3A_469 : i32
      %dma_wait3A_471 = arith.constant 4 : i32
      %dma_wait3A_472 = arith.constant 224 : i32
      %dma_wait3A_473 = arith.constant 0 : i32
      %dma_wait3A_474 = tpu.memref_slice %arg6[%dma_wait3A_472, %dma_wait3A_473] : memref<448x128xf32, #tpu.memory_space<vmem>> -> memref<56x128xf32, #tpu.memory_space<vmem>>
      %dma_wait3A_475 = arith.constant 0 : i32
      %dma_wait3A_476 = tpu.memref_slice %arg4[%mul3A_470, %dma_wait3A_475] : memref<917504x128xf32, #tpu.memory_space<hbm>> -> memref<56x128xf32, #tpu.memory_space<hbm>>
      %dma_wait3A_477 = tpu.memref_slice %arg8[%dma_wait3A_471] : memref<8x!tpu.dma_semaphore, #tpu.memory_space<semaphore_mem>> -> memref<1x!tpu.dma_semaphore, #tpu.memory_space<semaphore_mem>>
      %dma_wait3A_478 = tpu.memref_squeeze %dma_wait3A_477 : memref<1x!tpu.dma_semaphore, #tpu.memory_space<semaphore_mem>> -> memref<!tpu.dma_semaphore, #tpu.memory_space<semaphore_mem>>
      %dma_wait3A_479 = arith.constant 0 : i32
      %dma_wait3A_480 = tpu.memref_slice %arg4[%mul3A_470, %dma_wait3A_479] : memref<917504x128xf32, #tpu.memory_space<hbm>> -> memref<56x128xf32, #tpu.memory_space<hbm>>
      %dma_wait3A_481 = arith.constant 224 : i32
      %dma_wait3A_482 = arith.constant 0 : i32
      %dma_wait3A_483 = tpu.memref_slice %arg6[%dma_wait3A_481, %dma_wait3A_482] : memref<448x128xf32, #tpu.memory_space<vmem>> -> memref<56x128xf32, #tpu.memory_space<vmem>>
      tpu.wait_dma2 semaphore(%dma_wait3A_478 : memref<!tpu.dma_semaphore, #tpu.memory_space<semaphore_mem>>) src(%dma_wait3A_483 : memref<56x128xf32, #tpu.memory_space<vmem>>) dst(%dma_wait3A_480 : memref<56x128xf32, #tpu.memory_space<hbm>>)
      %lt3A_484 = arith.constant 63 : i32
      %lt3A_485 = arith.cmpi slt, %scan3A_111, %lt3A_484 : i32
      %convert_element_type3A_486 = arith.extui %lt3A_485 : i1 to i32
      %cond3A_487 = arith.constant 0 : i32
      %cond3A_488 = arith.cmpi ne, %convert_element_type3A_486, %cond3A_487 : i32
      scf.if %cond3A_488 {
        %add3A_564 = arith.constant 1 : i32
        %add3A_565 = arith.addi %scan3A_111, %add3A_564 : i32
        %mul3A_566 = arith.constant 8 : i32
        %mul3A_567 = arith.muli %add3A_565, %mul3A_566 : i32
        %add3A_568 = arith.constant 4 : i32
        %add3A_569 = arith.addi %mul3A_567, %add3A_568 : i32
        %dma_start3A_570 = arith.constant 4 : i32
        %dma_start3A_571 = arith.constant 224 : i32
        %dma_start3A_572 = arith.constant 0 : i32
        %dma_start3A_573 = tpu.memref_slice %arg6[%dma_start3A_571, %dma_start3A_572] : memref<448x128xf32, #tpu.memory_space<vmem>> -> memref<50x128xf32, #tpu.memory_space<vmem>>
        %dma_start3A_574 = arith.constant 0 : i32
        %dma_start3A_575 = tpu.memref_slice %arg5[%add3A_569, %dma_start3A_574] : memref<512x50xi32, #tpu.memory_space<vmem>> -> memref<1x50xi32, #tpu.memory_space<vmem>>
        %dma_start3A_576 = tpu.memref_squeeze %dma_start3A_575 : memref<1x50xi32, #tpu.memory_space<vmem>> -> memref<50xi32, #tpu.memory_space<vmem>>
        %dma_start3A_577 = arith.constant 0 : i32
        %dma_start3A_578 = arith.constant 0 : i32
        %dma_start3A_579 = tpu.memref_slice %arg2[%dma_start3A_577, %dma_start3A_578] : memref<1000000x128xf32, #tpu.memory_space<hbm>> -> memref<1000000x128xf32, #tpu.memory_space<hbm>>
        %dma_start3A_580 = tpu.memref_slice %arg7[%dma_start3A_570] : memref<8x!tpu.dma_semaphore, #tpu.memory_space<semaphore_mem>> -> memref<1x!tpu.dma_semaphore, #tpu.memory_space<semaphore_mem>>
        %dma_start3A_581 = tpu.memref_squeeze %dma_start3A_580 : memref<1x!tpu.dma_semaphore, #tpu.memory_space<semaphore_mem>> -> memref<!tpu.dma_semaphore, #tpu.memory_space<semaphore_mem>>
        tpu.enqueue_indirect_dma source(%dma_start3A_579 : memref<1000000x128xf32, #tpu.memory_space<hbm>>) target(%dma_start3A_573 : memref<50x128xf32, #tpu.memory_space<vmem>>) offsets(%dma_start3A_576 : memref<50xi32, #tpu.memory_space<vmem>>) semaphore(%dma_start3A_581 : memref<!tpu.dma_semaphore, #tpu.memory_space<semaphore_mem>>)
      } else {
      }
      %mul3A_489 = arith.constant 8 : i32
      %mul3A_490 = arith.muli %scan3A_111, %mul3A_489 : i32
      %add3A_491 = arith.constant 5 : i32
      %add3A_492 = arith.addi %mul3A_490, %add3A_491 : i32
      %add3A_493 = arith.addi %mul3A_2, %add3A_492 : i32
      %mul3A_494 = arith.constant 56 : i32
      %mul3A_495 = arith.muli %add3A_493, %mul3A_494 : i32
      %dma_wait3A_496 = arith.constant 5 : i32
      %dma_wait3A_497 = arith.constant 280 : i32
      %dma_wait3A_498 = arith.constant 0 : i32
      %dma_wait3A_499 = tpu.memref_slice %arg6[%dma_wait3A_497, %dma_wait3A_498] : memref<448x128xf32, #tpu.memory_space<vmem>> -> memref<56x128xf32, #tpu.memory_space<vmem>>
      %dma_wait3A_500 = arith.constant 0 : i32
      %dma_wait3A_501 = tpu.memref_slice %arg4[%mul3A_495, %dma_wait3A_500] : memref<917504x128xf32, #tpu.memory_space<hbm>> -> memref<56x128xf32, #tpu.memory_space<hbm>>
      %dma_wait3A_502 = tpu.memref_slice %arg8[%dma_wait3A_496] : memref<8x!tpu.dma_semaphore, #tpu.memory_space<semaphore_mem>> -> memref<1x!tpu.dma_semaphore, #tpu.memory_space<semaphore_mem>>
      %dma_wait3A_503 = tpu.memref_squeeze %dma_wait3A_502 : memref<1x!tpu.dma_semaphore, #tpu.memory_space<semaphore_mem>> -> memref<!tpu.dma_semaphore, #tpu.memory_space<semaphore_mem>>
      %dma_wait3A_504 = arith.constant 0 : i32
      %dma_wait3A_505 = tpu.memref_slice %arg4[%mul3A_495, %dma_wait3A_504] : memref<917504x128xf32, #tpu.memory_space<hbm>> -> memref<56x128xf32, #tpu.memory_space<hbm>>
      %dma_wait3A_506 = arith.constant 280 : i32
      %dma_wait3A_507 = arith.constant 0 : i32
      %dma_wait3A_508 = tpu.memref_slice %arg6[%dma_wait3A_506, %dma_wait3A_507] : memref<448x128xf32, #tpu.memory_space<vmem>> -> memref<56x128xf32, #tpu.memory_space<vmem>>
      tpu.wait_dma2 semaphore(%dma_wait3A_503 : memref<!tpu.dma_semaphore, #tpu.memory_space<semaphore_mem>>) src(%dma_wait3A_508 : memref<56x128xf32, #tpu.memory_space<vmem>>) dst(%dma_wait3A_505 : memref<56x128xf32, #tpu.memory_space<hbm>>)
      %lt3A_509 = arith.constant 63 : i32
      %lt3A_510 = arith.cmpi slt, %scan3A_111, %lt3A_509 : i32
      %convert_element_type3A_511 = arith.extui %lt3A_510 : i1 to i32
      %cond3A_512 = arith.constant 0 : i32
      %cond3A_513 = arith.cmpi ne, %convert_element_type3A_511, %cond3A_512 : i32
      scf.if %cond3A_513 {
        %add3A_564 = arith.constant 1 : i32
        %add3A_565 = arith.addi %scan3A_111, %add3A_564 : i32
        %mul3A_566 = arith.constant 8 : i32
        %mul3A_567 = arith.muli %add3A_565, %mul3A_566 : i32
        %add3A_568 = arith.constant 5 : i32
        %add3A_569 = arith.addi %mul3A_567, %add3A_568 : i32
        %dma_start3A_570 = arith.constant 5 : i32
        %dma_start3A_571 = arith.constant 280 : i32
        %dma_start3A_572 = arith.constant 0 : i32
        %dma_start3A_573 = tpu.memref_slice %arg6[%dma_start3A_571, %dma_start3A_572] : memref<448x128xf32, #tpu.memory_space<vmem>> -> memref<50x128xf32, #tpu.memory_space<vmem>>
        %dma_start3A_574 = arith.constant 0 : i32
        %dma_start3A_575 = tpu.memref_slice %arg5[%add3A_569, %dma_start3A_574] : memref<512x50xi32, #tpu.memory_space<vmem>> -> memref<1x50xi32, #tpu.memory_space<vmem>>
        %dma_start3A_576 = tpu.memref_squeeze %dma_start3A_575 : memref<1x50xi32, #tpu.memory_space<vmem>> -> memref<50xi32, #tpu.memory_space<vmem>>
        %dma_start3A_577 = arith.constant 0 : i32
        %dma_start3A_578 = arith.constant 0 : i32
        %dma_start3A_579 = tpu.memref_slice %arg2[%dma_start3A_577, %dma_start3A_578] : memref<1000000x128xf32, #tpu.memory_space<hbm>> -> memref<1000000x128xf32, #tpu.memory_space<hbm>>
        %dma_start3A_580 = tpu.memref_slice %arg7[%dma_start3A_570] : memref<8x!tpu.dma_semaphore, #tpu.memory_space<semaphore_mem>> -> memref<1x!tpu.dma_semaphore, #tpu.memory_space<semaphore_mem>>
        %dma_start3A_581 = tpu.memref_squeeze %dma_start3A_580 : memref<1x!tpu.dma_semaphore, #tpu.memory_space<semaphore_mem>> -> memref<!tpu.dma_semaphore, #tpu.memory_space<semaphore_mem>>
        tpu.enqueue_indirect_dma source(%dma_start3A_579 : memref<1000000x128xf32, #tpu.memory_space<hbm>>) target(%dma_start3A_573 : memref<50x128xf32, #tpu.memory_space<vmem>>) offsets(%dma_start3A_576 : memref<50xi32, #tpu.memory_space<vmem>>) semaphore(%dma_start3A_581 : memref<!tpu.dma_semaphore, #tpu.memory_space<semaphore_mem>>)
      } else {
      }
      %mul3A_514 = arith.constant 8 : i32
      %mul3A_515 = arith.muli %scan3A_111, %mul3A_514 : i32
      %add3A_516 = arith.constant 6 : i32
      %add3A_517 = arith.addi %mul3A_515, %add3A_516 : i32
      %add3A_518 = arith.addi %mul3A_2, %add3A_517 : i32
      %mul3A_519 = arith.constant 56 : i32
      %mul3A_520 = arith.muli %add3A_518, %mul3A_519 : i32
      %dma_wait3A_521 = arith.constant 6 : i32
      %dma_wait3A_522 = arith.constant 336 : i32
      %dma_wait3A_523 = arith.constant 0 : i32
      %dma_wait3A_524 = tpu.memref_slice %arg6[%dma_wait3A_522, %dma_wait3A_523] : memref<448x128xf32, #tpu.memory_space<vmem>> -> memref<56x128xf32, #tpu.memory_space<vmem>>
      %dma_wait3A_525 = arith.constant 0 : i32
      %dma_wait3A_526 = tpu.memref_slice %arg4[%mul3A_520, %dma_wait3A_525] : memref<917504x128xf32, #tpu.memory_space<hbm>> -> memref<56x128xf32, #tpu.memory_space<hbm>>
      %dma_wait3A_527 = tpu.memref_slice %arg8[%dma_wait3A_521] : memref<8x!tpu.dma_semaphore, #tpu.memory_space<semaphore_mem>> -> memref<1x!tpu.dma_semaphore, #tpu.memory_space<semaphore_mem>>
      %dma_wait3A_528 = tpu.memref_squeeze %dma_wait3A_527 : memref<1x!tpu.dma_semaphore, #tpu.memory_space<semaphore_mem>> -> memref<!tpu.dma_semaphore, #tpu.memory_space<semaphore_mem>>
      %dma_wait3A_529 = arith.constant 0 : i32
      %dma_wait3A_530 = tpu.memref_slice %arg4[%mul3A_520, %dma_wait3A_529] : memref<917504x128xf32, #tpu.memory_space<hbm>> -> memref<56x128xf32, #tpu.memory_space<hbm>>
      %dma_wait3A_531 = arith.constant 336 : i32
      %dma_wait3A_532 = arith.constant 0 : i32
      %dma_wait3A_533 = tpu.memref_slice %arg6[%dma_wait3A_531, %dma_wait3A_532] : memref<448x128xf32, #tpu.memory_space<vmem>> -> memref<56x128xf32, #tpu.memory_space<vmem>>
      tpu.wait_dma2 semaphore(%dma_wait3A_528 : memref<!tpu.dma_semaphore, #tpu.memory_space<semaphore_mem>>) src(%dma_wait3A_533 : memref<56x128xf32, #tpu.memory_space<vmem>>) dst(%dma_wait3A_530 : memref<56x128xf32, #tpu.memory_space<hbm>>)
      %lt3A_534 = arith.constant 63 : i32
      %lt3A_535 = arith.cmpi slt, %scan3A_111, %lt3A_534 : i32
      %convert_element_type3A_536 = arith.extui %lt3A_535 : i1 to i32
      %cond3A_537 = arith.constant 0 : i32
      %cond3A_538 = arith.cmpi ne, %convert_element_type3A_536, %cond3A_537 : i32
      scf.if %cond3A_538 {
        %add3A_564 = arith.constant 1 : i32
        %add3A_565 = arith.addi %scan3A_111, %add3A_564 : i32
        %mul3A_566 = arith.constant 8 : i32
        %mul3A_567 = arith.muli %add3A_565, %mul3A_566 : i32
        %add3A_568 = arith.constant 6 : i32
        %add3A_569 = arith.addi %mul3A_567, %add3A_568 : i32
        %dma_start3A_570 = arith.constant 6 : i32
        %dma_start3A_571 = arith.constant 336 : i32
        %dma_start3A_572 = arith.constant 0 : i32
        %dma_start3A_573 = tpu.memref_slice %arg6[%dma_start3A_571, %dma_start3A_572] : memref<448x128xf32, #tpu.memory_space<vmem>> -> memref<50x128xf32, #tpu.memory_space<vmem>>
        %dma_start3A_574 = arith.constant 0 : i32
        %dma_start3A_575 = tpu.memref_slice %arg5[%add3A_569, %dma_start3A_574] : memref<512x50xi32, #tpu.memory_space<vmem>> -> memref<1x50xi32, #tpu.memory_space<vmem>>
        %dma_start3A_576 = tpu.memref_squeeze %dma_start3A_575 : memref<1x50xi32, #tpu.memory_space<vmem>> -> memref<50xi32, #tpu.memory_space<vmem>>
        %dma_start3A_577 = arith.constant 0 : i32
        %dma_start3A_578 = arith.constant 0 : i32
        %dma_start3A_579 = tpu.memref_slice %arg2[%dma_start3A_577, %dma_start3A_578] : memref<1000000x128xf32, #tpu.memory_space<hbm>> -> memref<1000000x128xf32, #tpu.memory_space<hbm>>
        %dma_start3A_580 = tpu.memref_slice %arg7[%dma_start3A_570] : memref<8x!tpu.dma_semaphore, #tpu.memory_space<semaphore_mem>> -> memref<1x!tpu.dma_semaphore, #tpu.memory_space<semaphore_mem>>
        %dma_start3A_581 = tpu.memref_squeeze %dma_start3A_580 : memref<1x!tpu.dma_semaphore, #tpu.memory_space<semaphore_mem>> -> memref<!tpu.dma_semaphore, #tpu.memory_space<semaphore_mem>>
        tpu.enqueue_indirect_dma source(%dma_start3A_579 : memref<1000000x128xf32, #tpu.memory_space<hbm>>) target(%dma_start3A_573 : memref<50x128xf32, #tpu.memory_space<vmem>>) offsets(%dma_start3A_576 : memref<50xi32, #tpu.memory_space<vmem>>) semaphore(%dma_start3A_581 : memref<!tpu.dma_semaphore, #tpu.memory_space<semaphore_mem>>)
      } else {
      }
      %mul3A_539 = arith.constant 8 : i32
      %mul3A_540 = arith.muli %scan3A_111, %mul3A_539 : i32
      %add3A_541 = arith.constant 7 : i32
      %add3A_542 = arith.addi %mul3A_540, %add3A_541 : i32
      %add3A_543 = arith.addi %mul3A_2, %add3A_542 : i32
      %mul3A_544 = arith.constant 56 : i32
      %mul3A_545 = arith.muli %add3A_543, %mul3A_544 : i32
      %dma_wait3A_546 = arith.constant 7 : i32
      %dma_wait3A_547 = arith.constant 392 : i32
      %dma_wait3A_548 = arith.constant 0 : i32
      %dma_wait3A_549 = tpu.memref_slice %arg6[%dma_wait3A_547, %dma_wait3A_548] : memref<448x128xf32, #tpu.memory_space<vmem>> -> memref<56x128xf32, #tpu.memory_space<vmem>>
      %dma_wait3A_550 = arith.constant 0 : i32
      %dma_wait3A_551 = tpu.memref_slice %arg4[%mul3A_545, %dma_wait3A_550] : memref<917504x128xf32, #tpu.memory_space<hbm>> -> memref<56x128xf32, #tpu.memory_space<hbm>>
      %dma_wait3A_552 = tpu.memref_slice %arg8[%dma_wait3A_546] : memref<8x!tpu.dma_semaphore, #tpu.memory_space<semaphore_mem>> -> memref<1x!tpu.dma_semaphore, #tpu.memory_space<semaphore_mem>>
      %dma_wait3A_553 = tpu.memref_squeeze %dma_wait3A_552 : memref<1x!tpu.dma_semaphore, #tpu.memory_space<semaphore_mem>> -> memref<!tpu.dma_semaphore, #tpu.memory_space<semaphore_mem>>
      %dma_wait3A_554 = arith.constant 0 : i32
      %dma_wait3A_555 = tpu.memref_slice %arg4[%mul3A_545, %dma_wait3A_554] : memref<917504x128xf32, #tpu.memory_space<hbm>> -> memref<56x128xf32, #tpu.memory_space<hbm>>
      %dma_wait3A_556 = arith.constant 392 : i32
      %dma_wait3A_557 = arith.constant 0 : i32
      %dma_wait3A_558 = tpu.memref_slice %arg6[%dma_wait3A_556, %dma_wait3A_557] : memref<448x128xf32, #tpu.memory_space<vmem>> -> memref<56x128xf32, #tpu.memory_space<vmem>>
      tpu.wait_dma2 semaphore(%dma_wait3A_553 : memref<!tpu.dma_semaphore, #tpu.memory_space<semaphore_mem>>) src(%dma_wait3A_558 : memref<56x128xf32, #tpu.memory_space<vmem>>) dst(%dma_wait3A_555 : memref<56x128xf32, #tpu.memory_space<hbm>>)
      %lt3A_559 = arith.constant 63 : i32
      %lt3A_560 = arith.cmpi slt, %scan3A_111, %lt3A_559 : i32
      %convert_element_type3A_561 = arith.extui %lt3A_560 : i1 to i32
      %cond3A_562 = arith.constant 0 : i32
      %cond3A_563 = arith.cmpi ne, %convert_element_type3A_561, %cond3A_562 : i32
      scf.if %cond3A_563 {
        %add3A_564 = arith.constant 1 : i32
        %add3A_565 = arith.addi %scan3A_111, %add3A_564 : i32
        %mul3A_566 = arith.constant 8 : i32
        %mul3A_567 = arith.muli %add3A_565, %mul3A_566 : i32
        %add3A_568 = arith.constant 7 : i32
        %add3A_569 = arith.addi %mul3A_567, %add3A_568 : i32
        %dma_start3A_570 = arith.constant 7 : i32
        %dma_start3A_571 = arith.constant 392 : i32
        %dma_start3A_572 = arith.constant 0 : i32
        %dma_start3A_573 = tpu.memref_slice %arg6[%dma_start3A_571, %dma_start3A_572] : memref<448x128xf32, #tpu.memory_space<vmem>> -> memref<50x128xf32, #tpu.memory_space<vmem>>
        %dma_start3A_574 = arith.constant 0 : i32
        %dma_start3A_575 = tpu.memref_slice %arg5[%add3A_569, %dma_start3A_574] : memref<512x50xi32, #tpu.memory_space<vmem>> -> memref<1x50xi32, #tpu.memory_space<vmem>>
        %dma_start3A_576 = tpu.memref_squeeze %dma_start3A_575 : memref<1x50xi32, #tpu.memory_space<vmem>> -> memref<50xi32, #tpu.memory_space<vmem>>
        %dma_start3A_577 = arith.constant 0 : i32
        %dma_start3A_578 = arith.constant 0 : i32
        %dma_start3A_579 = tpu.memref_slice %arg2[%dma_start3A_577, %dma_start3A_578] : memref<1000000x128xf32, #tpu.memory_space<hbm>> -> memref<1000000x128xf32, #tpu.memory_space<hbm>>
        %dma_start3A_580 = tpu.memref_slice %arg7[%dma_start3A_570] : memref<8x!tpu.dma_semaphore, #tpu.memory_space<semaphore_mem>> -> memref<1x!tpu.dma_semaphore, #tpu.memory_space<semaphore_mem>>
        %dma_start3A_581 = tpu.memref_squeeze %dma_start3A_580 : memref<1x!tpu.dma_semaphore, #tpu.memory_space<semaphore_mem>> -> memref<!tpu.dma_semaphore, #tpu.memory_space<semaphore_mem>>
        tpu.enqueue_indirect_dma source(%dma_start3A_579 : memref<1000000x128xf32, #tpu.memory_space<hbm>>) target(%dma_start3A_573 : memref<50x128xf32, #tpu.memory_space<vmem>>) offsets(%dma_start3A_576 : memref<50xi32, #tpu.memory_space<vmem>>) semaphore(%dma_start3A_581 : memref<!tpu.dma_semaphore, #tpu.memory_space<semaphore_mem>>)
      } else {
      }
    }
    %scan3A_110 = arith.constant 64 : i32
    return
  }
}

</mosaic_0001>

<sc_bundles>
// kernel: kernel.3.cloned.1.call-start
scs
__scs_entry_jumppad:
0x0: {  	(pc) =	sbr.rel $0x88, $3  }
0x1: {  	(tag) =	ssettag $0x0;
	lr =	simm.s32 $0x1  }
0x2: {  	[smem:$0x3F9F] =	sst lr;
	_ =	strace $0xD0000000  }
0x3: {  	_ = 	snop  }
0x4: {  	_ = 	snop  }
0x5: {  	_ = 	snop  }
0x6: {  	_ = 	snop  }
0x7: {  	_ = 	snop  }
__scs_overlays_trampoline_lowered:
0x8: {  	[smem:$0x3FAE] =	sst s0  }
0x9: {  	[smem:$0x3FAF] =	sst s1  }
0xa: {  	[smem:$0x3FB0] =	sst s2  }
0xb: {  	[smem:$0x3FB1] =	sst s3  }
0xc: {  	[smem:$0x3FB2] =	sst s4  }
0xd: {  	[smem:$0x3FB3] =	sst s5  }
0xe: {  	[smem:$0x3FB4] =	sst s6  }
0xf: {  	[smem:$0x3FB5] =	sst s7  }
0x10: {  	[smem:$0x3FB6] =	sst s8  }
0x11: {  	[smem:$0x3FB7] =	sst s9;
	s0 =	simm.s32 @!p0 $0x0  }
0x12: {  	s1 =	sld [smem:$0x3F9D];
	s0 =	simm.s32 @p0 $0x1  }
0x13: {  	[smem:$0x3FB8] =	sst s0;
	s0 =	simm.s32 @!p1 $0x0  }
0x14: {  	s2 =	sld [smem:$0x3F9C];
	s0 =	simm.s32 @p1 $0x1  }
0x15: {  	[smem:$0x3FB9] =	sst s0;
	s0 =	simm.s32 @!p2 $0x0  }
0x16: {  	s3 =	sld [smem:$0x3FDB];
	s0 =	simm.s32 @p2 $0x1  }
0x17: {  	s4 =	simm.s32 $0x1BF5;
	[smem:$0x3FBB] =	sst s0  }
0x18: {  	s0 =	sld [smem:$0x3F9E];
	_ =	swait.ge [sflag:s4], $0x0  }
0x19: {  	s7 =	sld [smem:$0x3F9F]  }
0x1a: {  	s8 =	sadd.s32 $0xFFFFE003, lr  }
0x1b: {  	s9 =	sadd.s32 $0xFFFFFEF7, lr;
	s5 =	simm.s32 $0xFFFFFFFF;
	p2 =	slt.u32 s8, $0xFFFFF086  }
0x1c: {  	p1 =	slt.u32 s9, $0xF7A;
	s5 =	simm.s32 @!p2 $0x0  }
0x1d: {  	s5 =	simm.s32 @p1 $0x1;
	p0 =	seq.s32 s7, s2  }
0x1e: {  	s7 =	smul.u32 @!p0 $0xF7A, s2;
	p2 =	seq.s32 @!p0 s5, $0x0  }
0x1f: {  	s9 =	smul.u32 $0xF7A, s1;
	s8 =	simm.s32 @!p0 $0x1BF5;
	p2 =	por !p2, p0  }
0x20: {  	[sflag:s8] =	ssyncset.s32 @!p0 $0xFFFFF086;
	s6 =	sadd.s32 @!p0 s3, s7;
	s7 =	simm.s32 @!p0 $0x108  }
0x21: {  	s3 =	sadd.s32 s3, s9;
	s6 =	sadd.s32 @!p0 $0x88, s6;
	s7 =	simm.s32 @p2 $0x1082  }
0x22: {  	[simem:s7], [sflag:s8] =	dma.local @!p0 [hbm:s6], $0xF7A  }
0x23: {  	s9 =	sor.u32 $0xD0000000, s2;
	s6 =	simm.s32 $0x108;
	_ =	swait.ge @!p0 [sflag:s8], $0x0  }
0x24: {  	s3 =	sadd.s32 $0x88, s3;
	s6 =	simm.s32 @!p1 $0x1082;
	[sflag:s4] =	ssyncset.s32 $0xFFFFF086  }
0x25: {  	[simem:s6], [sflag:s4] =	dma.local [hbm:s3], $0xF7A  }
0x26: {  	[smem:$0x3F9F] =	sst s1;
	(tag) =	ssettag s2;
	_ =	strace s9  }
0x27: {  	s1 =	sld [smem:$0x3FAF]  }
0x28: {  	s2 =	sld [smem:$0x3FB0]  }
0x29: {  	s4 =	sld [smem:$0x3FB2]  }
0x2a: {  	p0 =	seq.s32 s5, $0x0;
	s5 =	sld [smem:$0x3FB3]  }
0x2b: {  	s6 =	sld [smem:$0x3FB4]  }
0x2c: {  	s7 =	sld [smem:$0x3FB5]  }
0x2d: {  	s3 =	simm.s32 $0x108;
	s8 =	sld [smem:$0x3FB6]  }
0x2e: {  	s3 =	simm.s32 @!p0 $0x1082;
	s9 =	sld [smem:$0x3FB7]  }
0x2f: {  	lr =	sadd.s32 s0, s3;
	s0 =	sld [smem:$0x3FAE]  }
0x30: {  	s3 =	sld [smem:$0x3FB1]  }
0x31: {  	[smem:$0x3FBA] =	sst s10  }
0x32: {  	s10 =	sld [smem:$0x3FB8];
	_ =	sdelay $0x3  }
0x33: {  	p0 =	seq.s32 s10, $0x1;
	s10 =	sld [smem:$0x3FBA];
	_ =	sdelay $0x3  }
0x34: {  	[smem:$0x3FBA] =	sst s10  }
0x35: {  	s10 =	sld [smem:$0x3FB9];
	_ =	sdelay $0x3  }
0x36: {  	p1 =	seq.s32 s10, $0x1;
	s10 =	sld [smem:$0x3FBA];
	_ =	sdelay $0x3  }
0x37: {  	[smem:$0x3FBA] =	sst s10  }
0x38: {  	s10 =	sld [smem:$0x3FBB]  }
0x39: {  	_ = 	snop;
	(pc) =	sbr.ind lr, $3  }
0x3a: {  	_ = 	snop  }
0x3b: {  	_ = 	snop  }
0x3c: {  	p2 =	seq.s32 s10, $0x1;
	s10 =	sld [smem:$0x3FBA]  }
0x3d: {  	_ =	shalt  }
0x3e: {  	_ =	shalt  }
0x3f: {  	_ =	shalt  }
0x40: {  	_ =	shalt  }
0x41: {  	_ =	shalt  }
0x42: {  	_ =	shalt  }
0x43: {  	_ =	shalt  }
0x44: {  	_ =	shalt  }
0x45: {  	_ =	shalt  }
0x46: {  	_ =	shalt  }
0x47: {  	_ =	shalt  }
0x48: {  	_ =	shalt  }
0x49: {  	_ =	shalt  }
0x4a: {  	_ =	shalt  }
0x4b: {  	_ =	shalt  }
0x4c: {  	_ =	shalt  }
0x4d: {  	_ =	shalt  }
0x4e: {  	_ =	shalt  }
0x4f: {  	_ =	shalt  }
0x50: {  	_ =	shalt  }
0x51: {  	_ =	shalt  }
0x52: {  	_ =	shalt  }
0x53: {  	_ =	shalt  }
0x54: {  	_ =	shalt  }
0x55: {  	_ =	shalt  }
0x56: {  	_ =	shalt  }
0x57: {  	_ =	shalt  }
0x58: {  	_ =	shalt  }
0x59: {  	_ =	shalt  }
0x5a: {  	_ =	shalt  }
0x5b: {  	_ =	shalt  }
0x5c: {  	_ =	shalt  }
0x5d: {  	_ =	shalt  }
0x5e: {  	_ =	shalt  }
0x5f: {  	_ =	shalt  }
0x60: {  	_ =	shalt  }
0x61: {  	_ =	shalt  }
0x62: {  	_ =	shalt  }
0x63: {  	_ =	shalt  }
0x64: {  	_ =	shalt  }
0x65: {  	_ =	shalt  }
0x66: {  	_ =	shalt  }
0x67: {  	_ =	shalt  }
0x68: {  	_ =	shalt  }
0x69: {  	_ =	shalt  }
0x6a: {  	_ =	shalt  }
0x6b: {  	_ =	shalt  }
0x6c: {  	_ =	shalt  }
0x6d: {  	_ =	shalt  }
0x6e: {  	_ =	shalt  }
0x6f: {  	_ =	shalt  }
0x70: {  	_ =	shalt  }
0x71: {  	_ =	shalt  }
0x72: {  	_ =	shalt  }
0x73: {  	_ =	shalt  }
0x74: {  	_ =	shalt  }
0x75: {  	_ =	shalt  }
0x76: {  	_ =	shalt  }
0x77: {  	_ =	shalt  }
0x78: {  	_ =	shalt  }
0x79: {  	_ =	shalt  }
0x7a: {  	_ =	shalt  }
0x7b: {  	_ =	shalt  }
0x7c: {  	_ =	shalt  }
0x7d: {  	_ =	shalt  }
0x7e: {  	_ =	shalt  }
0x7f: {  	_ =	shalt  }
0x80: {  	_ =	shalt  }
0x81: {  	_ =	shalt  }
0x82: {  	_ =	shalt  }
0x83: {  	_ =	shalt  }
0x84: {  	_ =	shalt  }
0x85: {  	_ =	shalt  }
0x86: {  	_ =	shalt  }
0x87: {  	_ =	shalt  }
.Lfunc_end0:
.L_simem_size_0:
called_computation.1_lowered:
.L_overlay_start_0:
0x88: {  	s2 =	sld [smem:$0x3FD9]  }
0x89: {  	s3 =	sld [smem:$0x3FFE];
	_ =	sdelay $0x1  }
0x8a: {  	s1 =	srdreg.scid  }
0x8b: {  	s0 =	sand.u32 $0x1, s1  }
0x8c: {  	s17 =	sshll.u32 s0, $0xA;
	s2 =	sadd.s32 s3, s2  }
0x8d: {  	s2 =	sadd.s32 s2, s17  }
0x8e: {  	[smem:$0x3FC6] =	sst s2  }
0x8f: {  	_ = 	snop  }
0x90: {  	s2 =	sld [smem:$0x3FD0];
	(tm) =	ssettm $0x1  }
0x91: {  	s18 =	sld [smem:$0x3FFB];
	_ =	sdelay $0x3  }
0x92: {  	_ =	strace s18  }
0x93: {  	s3 =	sld [smem:$0x3FFC];
	_ =	sdelay $0x3  }
0x94: {  	_ =	strace s3  }
0x95: {  	s3 =	sld [smem:$0x3FFD];
	_ =	sdelay $0x3  }
0x96: {  	_ =	strace s3  }
0x97: {  	_ =	strace $0x8FFFFFFF  }
0x98: {  	s19 =	sld [smem:$0x3FDB];
	_ =	sdelay $0x1  }
0x99: {  	s4 =	simm.s32 $_scs_section_size  }
0x9a: {  	s5 =	simm.s32 $_size__tile_overlayer_lowered;
	s6 =	simm.s32 $_tile_overlayer_lowered  }
0x9b: {  	s22 =	simm.s32 $0x1BFF;
	s21 =	sshll.u32 s6, $0x1;
	s3 =	sadd.s32 s4, s19  }
0x9c: {  	s7 =	simm.s32 $0x0;
	s20 =	sshll.u32 s5, $0x1;
	s5 =	sadd.s32 s21, s3  }
0x9d: {  	[timem:s7], [sflag:s22] =	dma.local [hbm:s5], s20  }
0x9e: {  	_ =	swait.ge [sflag:s22], s20  }
0x9f: {  	s4 =	ssub.s32 $0x0, s20;
	[sflag:s22] =	ssyncset.done $0x0  }
0xa0: {  	[sflag:s22] =	ssyncadd.s32 s4;
	_ =	sdelay $0x1  }
0xa1: {  	s23 =	simm.s32 $0x1B8B  }
0xa2: {  	_ =	swait.ge [sflag:s23], $0x1  }
0xa3: {  	[sflag:s23] =	ssyncset.done $0x0  }
0xa4: {  	s25 =	simm.s32 $0x1B8E;
	s24 =	sld [smem:$0x3FFE];
	[sflag:s23] =	ssyncadd.s32 $0xFFFFFFFF  }
0xa5: {  	s26 =	simm.s32 $execute0_lowered;
	[smem:$0x3FD2] =	sst s25  }
0xa6: {  	s5 =	sshll.u32 s26, $0x1;
	_ =	strace $0x80000046;
	[dreg:$0x1] =	wrdreg $0xFFFFFFFF  }
0xa7: {  	s28 =	simm.s32 $_size_execute0_lowered;
	s3 =	sadd.s32 s3, s5;
	[dreg:$0x0] =	wrdreg $0x0  }
0xa8: {  	s5 =	sshll.u32 s28, $0x1;
	[dreg:$0x2] =	wrdreg s3  }
0xa9: {  	[dreg:$0x3] =	wrdreg s5  }
0xaa: {  	[dreg:$0x4] =	wrdreg $0xC0  }
0xab: {  	_ =	task [dreg:s7], $0x5FFFF  }
0xac: {  	[dreg:$0x1] =	wrdreg $0xFFFFFFFF  }
0xad: {  	[dreg:$0x0] =	wrdreg $0x60  }
0xae: {  	[dreg:$0x2] =	wrdreg s24  }
0xaf: {  	[dreg:$0x3] =	wrdreg s2  }
0xb0: {  	[dreg:$0x4] =	wrdreg $0x9  }
0xb1: {  	_ =	task.clear_ibuf [dreg:s7], $0x5FFFF;
	_ =	strace $0x90000046  }
0xb2: {  	s29 =	simm.s32 $0x9;
	_ =	strace $0x80000048  }
0xb3: {  	_ =	swait.ge [sflag:s29], $0x1  }
0xb4: {  	[sflag:s29] =	ssyncadd.s32 $0xFFFFFFFF  }
0xb5: {  	_ =	strace $0x90000048  }
0xb6: {  	_ =	sfence  }
0xb7: {  	s30 =	sld [smem:$0x0];
	_ =	sdelay $0x2  }
0xb8: {  	s31 =	sshll.u32 s1, $0xD;
	s1 =	sshrl.u32 s1, $0x2  }
0xb9: {  	s3 =	sand.u32 $0x4000, s31;
	s1 =	sadd.s32 s1, s30  }
0xba: {  	s0 =	sor.u32 s3, s0;
	s1 =	sshll.u32 s1, $0x11  }
0xbb: {  	s0 =	sor.u32 s1, s0  }
0xbc: {  	s0 =	sadd.s32 $0x8F2B, s0  }
0xbd: {  	[sflag:s0] =	ssyncadd.remote.s32 $0x1  }
0xbe: {  	_ =	sfence.sel $0xFFFF  }
0xbf: {  	[dreg:$0x0] =	wrdreg $0xFFFFFFFF;
	(pc) =	sbr.abs _section_cstart, $3  }
0xc0: {  	[dreg:$0x1] =	wrdreg $0xFFFFFFFF  }
0xc1: {  	_ =	task.clear_ibuf [dreg:s7], $0x2FFFF;
	_ =	strace $0x9FFFFFFF  }
0xc2: {  	(tm) =	ssettm $0x7FFFFFFF  }
0xc3: {  	_ =	shalt  }
tec
execute0_lowered:
.L_overlay_start_1:
0x0: {  	(tag) =	ssettag $0x1  }
0x1: {  	s0 =	rddreg [dreg:$0x0]  }
0x2: {  	s1 =	rddreg [dreg:$0x1];
	s2 =	simm.s32 $0x0;
	s3 =	srdreg.scid  }
0x3: {  	s7 =	stileid.u32;
	s9 =	simm.s32 $0x10000;
	s11 =	simm.s32 $0x11C00  }
0x4: {  	s13 =	simm.s32 $0x13800;
	s15 =	simm.s32 $0x15400;
	s17 =	simm.s32 $0x17000  }
0x5: {  	s19 =	simm.s32 $0x18C00;
	s21 =	simm.s32 $0x1A800;
	s23 =	simm.s32 $0x1C400  }
0x6: {  	s24 =	simm.s32 $0x1;
	s28 =	simm.s32 $0x4;
	s29 =	simm.s32 $0x5  }
0x7: {  	s30 =	simm.s32 $0x6;
	s31 =	simm.s32 $0x7;
	s10 =	simm.s32 $0xA  }
0x8: {  	s12 =	simm.s32 $0xB;
	s14 =	simm.s32 $0xC;
	s16 =	simm.s32 $0xD  }
0x9: {  	s18 =	simm.s32 $0xE;
	s20 =	simm.s32 $0xF;
	s22 =	simm.s32 $0x10  }
0xa: {  	[smem:$0x7FF] =	sst s2;
	s4 =	sand.u32 $0x1, s3;
	s3 =	sadd.s32 $0xF42E00, s0  }
0xb: {  	s5 =	smul.u32 $0xE0000, s7;
	s7 =	sshll.u32 s7, $0xE;
	_ =	strace $0x80000047  }
0xc: {  	s6 =	ssub.s32 $0x2, s4;
	s8 =	sshll.u32 s4, $0xD;
	s4 =	smul.u32 $0x70000, s4  }
0xd: {  	s0 =	sadd.s32 s5, s0;
	s25 =	sshrl.u32 s6, $0x1;
	s7 =	sor.u32 s8, s7  }
.Ltmp0:
0xe: {  	s8 =	simm.s32 $0x32;
	s5 =	ssub.s32 s6, s25;
	(pc) =	sbr.rel .LBB2_1-.Ltmp0, $4  }
0xf: {  	s1 =	sadd.s32 s1, s7;
	s0 =	sadd.s32 s4, s0;
	s25 =	simm.s32 $0x2  }
0x10: {  	[dreg:$0x3] =	wrdreg s1;
	s26 =	smax.u32 s5, $0x1;
	s0 =	sadd.s32 $0xA00, s0  }
0x11: {  	s1 =	simm.s32 $0x9;
	s5 =	simm.s32 $0x0;
	[dreg:$0x4] =	wrdreg s26  }
0x12: {  	[dreg:$0x5] =	wrdreg s0;
	s26 =	simm.s32 $0x3;
	s0 =	simm.s32 $0x8  }
.LBB2_4:
0x13: {  	_ =	swait.ge [sflag:s10], $0x1C00  }
0x14: {  	[sflag:s10] =	ssyncset.done $0x0  }
0x15: {  	[sflag:s10] =	ssyncadd.s32 $0xFFFFE400  }
0x16: {  	_ =	swait.ge [sflag:s12], $0x1C00  }
0x17: {  	[sflag:s12] =	ssyncset.done $0x0  }
0x18: {  	[sflag:s12] =	ssyncadd.s32 $0xFFFFE400  }
0x19: {  	_ =	swait.ge [sflag:s14], $0x1C00  }
0x1a: {  	[sflag:s14] =	ssyncset.done $0x0  }
0x1b: {  	[sflag:s14] =	ssyncadd.s32 $0xFFFFE400  }
0x1c: {  	_ =	swait.ge [sflag:s16], $0x1C00  }
0x1d: {  	[sflag:s16] =	ssyncset.done $0x0  }
0x1e: {  	[sflag:s16] =	ssyncadd.s32 $0xFFFFE400  }
0x1f: {  	_ =	swait.ge [sflag:s18], $0x1C00  }
0x20: {  	[sflag:s18] =	ssyncset.done $0x0  }
0x21: {  	[sflag:s18] =	ssyncadd.s32 $0xFFFFE400  }
0x22: {  	_ =	swait.ge [sflag:s20], $0x1C00  }
0x23: {  	[sflag:s20] =	ssyncset.done $0x0  }
0x24: {  	[sflag:s20] =	ssyncadd.s32 $0xFFFFE400  }
0x25: {  	_ =	swait.ge [sflag:s22], $0x1C00  }
0x26: {  	s5 =	rddreg [dreg:$0x6]  }
0x27: {  	s4 =	rddreg [dreg:$0x4];
	s5 =	sadd.s32 $0x1, s5  }
0x28: {  	p0 =	sne.s32 s5, s4  }
.Ltmp1:
0x29: {  	_ = 	snop;
	(pc) =	sbr.rel @!p0 .LBB2_5-.Ltmp1, $3  }
0x2a: {  	_ =	sdelay $0x1  }
0x2b: {  	[sflag:s22] =	ssyncset.done $0x0  }
0x2c: {  	[sflag:s22] =	ssyncadd.s32 $0xFFFFE400  }
.LBB2_1:
0x2d: {  	[dreg:$0x6] =	wrdreg s5  }
0x2e: {  	s4 =	rddreg [dreg:$0x3];
	s6 =	simm.s32 $0x11  }
0x2f: {  	[tilespmem:s2], [sflag:$0x11] =	stream.linear.gather [hbm4b:s4+s2], $0x10000, $0x38;
	[tilespmem:$0x1E000] =	vst v63  }
0x30: {  	_ =	swait.ge [sflag:s6], $0x10000  }
0x31: {  	[sflag:s6] =	ssyncset.done $0x0  }
0x32: {  	[sflag:s6] =	ssyncadd.s32 $0xFFFF0000  }
0x33: {  	[tilespmem:s9], [sflag:$0x1] =	stream.indirect.gather [hbm4b:s3+s8], $0x80, s2, s8, $0xb8;
	[tilespmem:$0x1E000] =	vst v63  }
0x34: {  	s7 =	simm.s32 $0x80  }
0x35: {  	[tilespmem:s11], [sflag:$0x2] =	stream.indirect.gather [hbm4b:s3+s8], $0x80, s7, s8, $0xb8;
	[tilespmem:$0x1E000] =	vst v63  }
0x36: {  	s5 =	simm.s32 $0x100  }
0x37: {  	[tilespmem:s13], [sflag:$0x3] =	stream.indirect.gather [hbm4b:s3+s8], $0x80, s5, s8, $0xb8;
	[tilespmem:$0x1E000] =	vst v63  }
0x38: {  	s6 =	simm.s32 $0x180  }
0x39: {  	[tilespmem:s15], [sflag:$0x4] =	stream.indirect.gather [hbm4b:s3+s8], $0x80, s6, s8, $0xb8;
	[tilespmem:$0x1E000] =	vst v63  }
0x3a: {  	s7 =	simm.s32 $0x200  }
0x3b: {  	[tilespmem:s17], [sflag:$0x5] =	stream.indirect.gather [hbm4b:s3+s8], $0x80, s7, s8, $0xb8;
	[tilespmem:$0x1E000] =	vst v63  }
0x3c: {  	s5 =	simm.s32 $0x280  }
0x3d: {  	[tilespmem:s19], [sflag:$0x6] =	stream.indirect.gather [hbm4b:s3+s8], $0x80, s5, s8, $0xb8;
	[tilespmem:$0x1E000] =	vst v63  }
0x3e: {  	s6 =	simm.s32 $0x300  }
0x3f: {  	[tilespmem:s21], [sflag:$0x7] =	stream.indirect.gather [hbm4b:s3+s8], $0x80, s6, s8, $0xb8;
	[tilespmem:$0x1E000] =	vst v63  }
0x40: {  	s7 =	simm.s32 $0x380;
	s5 =	simm.s32 $0x0;
	s6 =	rddreg [dreg:$0x5]  }
0x41: {  	[tilespmem:s23], [sflag:$0x8] =	stream.indirect.gather [hbm4b:s3+s8], $0x80, s7, s8, $0xb8;
	[tilespmem:$0x1E000] =	vst v63  }
.LBB2_2:
0x42: {  	_ =	swait.ge [sflag:s24], $0x1900  }
0x43: {  	[sflag:s24] =	ssyncset.done $0x0  }
0x44: {  	[sflag:s24] =	ssyncadd.s32 $0xFFFFE700  }
0x45: {  	[hbm4b:s6+s2] =	stream.linear.scatter [tilespmem:s9], [sflag:$0x9], $0x1C00, $0x38;
	[tilespmem:$0x1E000] =	vst v63  }
0x46: {  	_ =	swait.ge [sflag:s25], $0x1900  }
0x47: {  	[sflag:s25] =	ssyncset.done $0x0  }
0x48: {  	s7 =	sadd.s32 $0x380, s6;
	[sflag:s25] =	ssyncadd.s32 $0xFFFFE700  }
0x49: {  	[hbm4b:s7+s2] =	stream.linear.scatter [tilespmem:s11], [sflag:$0xA], $0x1C00, $0x38;
	[tilespmem:$0x1E000] =	vst v63  }
0x4a: {  	_ =	swait.ge [sflag:s26], $0x1900  }
0x4b: {  	[sflag:s26] =	ssyncset.done $0x0  }
0x4c: {  	s4 =	sadd.s32 $0x700, s6;
	[sflag:s26] =	ssyncadd.s32 $0xFFFFE700  }
0x4d: {  	[hbm4b:s4+s2] =	stream.linear.scatter [tilespmem:s13], [sflag:$0xB], $0x1C00, $0x38;
	[tilespmem:$0x1E000] =	vst v63  }
0x4e: {  	_ =	swait.ge [sflag:s28], $0x1900  }
0x4f: {  	[sflag:s28] =	ssyncset.done $0x0  }
0x50: {  	s4 =	sadd.s32 $0xA80, s6;
	[sflag:s28] =	ssyncadd.s32 $0xFFFFE700  }
0x51: {  	[hbm4b:s4+s2] =	stream.linear.scatter [tilespmem:s15], [sflag:$0xC], $0x1C00, $0x38;
	[tilespmem:$0x1E000] =	vst v63  }
0x52: {  	_ =	swait.ge [sflag:s29], $0x1900  }
0x53: {  	[sflag:s29] =	ssyncset.done $0x0  }
0x54: {  	s4 =	sadd.s32 $0xE00, s6;
	[sflag:s29] =	ssyncadd.s32 $0xFFFFE700  }
0x55: {  	[hbm4b:s4+s2] =	stream.linear.scatter [tilespmem:s17], [sflag:$0xD], $0x1C00, $0x38;
	[tilespmem:$0x1E000] =	vst v63  }
0x56: {  	_ =	swait.ge [sflag:s30], $0x1900  }
0x57: {  	[sflag:s30] =	ssyncset.done $0x0  }
0x58: {  	s4 =	sadd.s32 $0x1180, s6;
	[sflag:s30] =	ssyncadd.s32 $0xFFFFE700  }
0x59: {  	[hbm4b:s4+s2] =	stream.linear.scatter [tilespmem:s19], [sflag:$0xE], $0x1C00, $0x38;
	[tilespmem:$0x1E000] =	vst v63  }
0x5a: {  	_ =	swait.ge [sflag:s31], $0x1900  }
0x5b: {  	[sflag:s31] =	ssyncset.done $0x0  }
0x5c: {  	s4 =	sadd.s32 $0x1500, s6;
	[sflag:s31] =	ssyncadd.s32 $0xFFFFE700  }
0x5d: {  	[hbm4b:s4+s2] =	stream.linear.scatter [tilespmem:s21], [sflag:$0xF], $0x1C00, $0x38;
	[tilespmem:$0x1E000] =	vst v63  }
0x5e: {  	_ =	swait.ge [sflag:s0], $0x1900  }
0x5f: {  	p0 =	seq.s32 s5, $0x3F000;
	[sflag:s0] =	ssyncset.done $0x0  }
.Ltmp2:
0x60: {  	s4 =	sadd.s32 $0x1880, s6;
	[sflag:s0] =	ssyncadd.s32 $0xFFFFE700;
	(pc) =	sbr.rel @p0 .LBB2_4-.Ltmp2, $4  }
0x61: {  	[hbm4b:s4+s2] =	stream.linear.scatter [tilespmem:s23], [sflag:$0x10], $0x1C00, $0x38;
	[tilespmem:$0x1E000] =	vst v63  }
0x62: {  	_ =	swait.ge [sflag:s1], $0x1C00  }
0x63: {  	[sflag:s1] =	ssyncset.done $0x0  }
0x64: {  	[sflag:s1] =	ssyncadd.s32 $0xFFFFE400  }
0x65: {  	s7 =	sshra.s32 s5, $0x2  }
0x66: {  	s4 =	sadd.s32 $0x400, s7  }
0x67: {  	[tilespmem:s9], [sflag:$0x1] =	stream.indirect.gather [hbm4b:s3+s8], $0x80, s4, s8, $0xb8;
	[tilespmem:$0x1E000] =	vst v63  }
0x68: {  	_ =	swait.ge [sflag:s10], $0x1C00  }
0x69: {  	[sflag:s10] =	ssyncset.done $0x0  }
0x6a: {  	s4 =	sadd.s32 $0x480, s7;
	[sflag:s10] =	ssyncadd.s32 $0xFFFFE400  }
0x6b: {  	[tilespmem:s11], [sflag:$0x2] =	stream.indirect.gather [hbm4b:s3+s8], $0x80, s4, s8, $0xb8;
	[tilespmem:$0x1E000] =	vst v63  }
0x6c: {  	_ =	swait.ge [sflag:s12], $0x1C00  }
0x6d: {  	[sflag:s12] =	ssyncset.done $0x0  }
0x6e: {  	s4 =	sadd.s32 $0x500, s7;
	[sflag:s12] =	ssyncadd.s32 $0xFFFFE400  }
0x6f: {  	[tilespmem:s13], [sflag:$0x3] =	stream.indirect.gather [hbm4b:s3+s8], $0x80, s4, s8, $0xb8;
	[tilespmem:$0x1E000] =	vst v63  }
0x70: {  	_ =	swait.ge [sflag:s14], $0x1C00  }
0x71: {  	[sflag:s14] =	ssyncset.done $0x0  }
0x72: {  	s4 =	sadd.s32 $0x580, s7;
	[sflag:s14] =	ssyncadd.s32 $0xFFFFE400  }
0x73: {  	[tilespmem:s15], [sflag:$0x4] =	stream.indirect.gather [hbm4b:s3+s8], $0x80, s4, s8, $0xb8;
	[tilespmem:$0x1E000] =	vst v63  }
0x74: {  	_ =	swait.ge [sflag:s16], $0x1C00  }
0x75: {  	[sflag:s16] =	ssyncset.done $0x0  }
0x76: {  	s4 =	sadd.s32 $0x600, s7;
	[sflag:s16] =	ssyncadd.s32 $0xFFFFE400  }
0x77: {  	[tilespmem:s17], [sflag:$0x5] =	stream.indirect.gather [hbm4b:s3+s8], $0x80, s4, s8, $0xb8;
	[tilespmem:$0x1E000] =	vst v63  }
0x78: {  	_ =	swait.ge [sflag:s18], $0x1C00  }
0x79: {  	[sflag:s18] =	ssyncset.done $0x0  }
0x7a: {  	s4 =	sadd.s32 $0x680, s7;
	[sflag:s18] =	ssyncadd.s32 $0xFFFFE400  }
0x7b: {  	[tilespmem:s19], [sflag:$0x6] =	stream.indirect.gather [hbm4b:s3+s8], $0x80, s4, s8, $0xb8;
	[tilespmem:$0x1E000] =	vst v63  }
0x7c: {  	_ =	swait.ge [sflag:s20], $0x1C00  }
0x7d: {  	[sflag:s20] =	ssyncset.done $0x0  }
0x7e: {  	s4 =	sadd.s32 $0x700, s7;
	[sflag:s20] =	ssyncadd.s32 $0xFFFFE400  }
0x7f: {  	[tilespmem:s21], [sflag:$0x7] =	stream.indirect.gather [hbm4b:s3+s8], $0x80, s4, s8, $0xb8;
	[tilespmem:$0x1E000] =	vst v63  }
.Ltmp3:
0x80: {  	_ = 	snop;
	(pc) =	sbr.rel .LBB2_2-.Ltmp3, $4  }
0x81: {  	_ =	swait.ge [sflag:s22], $0x1C00  }
0x82: {  	s5 =	sadd.s32 $0x1000, s5;
	[sflag:s22] =	ssyncset.done $0x0  }
0x83: {  	s6 =	sadd.s32 $0x1C00, s6;
	s7 =	sadd.s32 $0x780, s7;
	[sflag:s22] =	ssyncadd.s32 $0xFFFFE400  }
0x84: {  	[tilespmem:s23], [sflag:$0x8] =	stream.indirect.gather [hbm4b:s3+s8], $0x80, s7, s8, $0xb8;
	[tilespmem:$0x1E000] =	vst v63  }
.LBB2_5:
0x85: {  	_ =	sfence.sel $0x180000  }
0x86: {  	[bflag:$0x0] =	sbarrier.arrive $0xFFFF  }
0x87: {  	_ =	strace $0x90000047  }
0x88: {  	s0 =	stileid.u32;
	[bflag:$0x2] =	sbarrier.arrive $0xFFFF  }
0x89: {  	p0 =	sne.s32 s0, $0x0;
	s0 =	rddreg [dreg:$0x2]  }
0x8a: {  	s0 =	sadd.s32 @!p0 $0x100000, s0  }
0x8b: {  	[sflag:s0] =	ssyncadd.tile.s32 @!p0 $0x1;
	_ =	shalt  }
.Lfunc_end2:
_tile_overlayer_lowered:
.L_overlay_start_2:
0x8c: {  	(tag) =	ssettag $0x2  }
0x8d: {  	s0 =	rddreg [dreg:$0x0];
	s2 =	stileid.u32  }
0x8e: {  	s1 =	rddreg [dreg:$0x1];
	p0 =	sne.s32 s2, $0x0  }
0x8f: {  	s3 =	rddreg [dreg:$0x2];
	[bflag:$0x3] =	sbarrier.arrive $0xFFFF;
	s2 =	simm.s32 @!p0 $0x1C11  }
0x90: {  	[timem:s3], [sflag:s2] =	dma.local @!p0 [hbm:s0], s1  }
0x91: {  	s0 =	simm.s32 @!p0 $0x11  }
0x92: {  	_ =	swait.ge @!p0 [sflag:s0], s1  }
0x93: {  	s1 =	ssub.s32 @!p0 $0x0, s1;
	[sflag:s0] =	ssyncset.done @!p0 $0x0  }
0x94: {  	[sflag:s0] =	ssyncadd.s32 @!p0 s1  }
0x95: {  	[bflag:$0x3] =	sbarrier.arrive $0xFFFF  }
0x96: {  	_ =	shalt  }

// kernel: sparse-core-data-format-call.cloned.1.call-start
scs
called_computation_lowered:
.L_overlay_start_0:
0x0: {  	s2 =	sld [smem:$0x3FD9]  }
0x1: {  	s3 =	sld [smem:$0x3FFE];
	_ =	sdelay $0x1  }
0x2: {  	s1 =	srdreg.scid  }
0x3: {  	s0 =	sand.u32 $0x1, s1  }
0x4: {  	s18 =	sshll.u32 s0, $0xA;
	s2 =	sadd.s32 s3, s2  }
0x5: {  	s2 =	sadd.s32 s2, s18  }
0x6: {  	[smem:$0x3FC6] =	sst s2  }
0x7: {  	_ = 	snop  }
0x8: {  	s2 =	sld [smem:$0x3FD0];
	(tm) =	ssettm $0x1  }
0x9: {  	s19 =	sld [smem:$0x3FFB];
	_ =	sdelay $0x3  }
0xa: {  	_ =	strace s19  }
0xb: {  	s3 =	sld [smem:$0x3FFC];
	_ =	sdelay $0x3  }
0xc: {  	_ =	strace s3  }
0xd: {  	s3 =	sld [smem:$0x3FFD];
	_ =	sdelay $0x3  }
0xe: {  	_ =	strace s3  }
0xf: {  	_ =	strace $0x8FFFFFFF  }
0x10: {  	s20 =	sld [smem:$0x3FDB];
	_ =	sdelay $0x1  }
0x11: {  	s4 =	simm.s32 $_scs_section_size  }
0x12: {  	s5 =	simm.s32 $_size__tile_overlayer_lowered;
	s6 =	simm.s32 $_tile_overlayer_lowered  }
0x13: {  	s23 =	simm.s32 $0x1BFF;
	s22 =	sshll.u32 s6, $0x1;
	s3 =	sadd.s32 s4, s20  }
0x14: {  	s7 =	simm.s32 $0x0;
	s21 =	sshll.u32 s5, $0x1;
	s5 =	sadd.s32 s22, s3  }
0x15: {  	[timem:s7], [sflag:s23] =	dma.local [hbm:s5], s21  }
0x16: {  	_ =	swait.ge [sflag:s23], s21  }
0x17: {  	s4 =	ssub.s32 $0x0, s21;
	[sflag:s23] =	ssyncset.done $0x0  }
0x18: {  	[sflag:s23] =	ssyncadd.s32 s4;
	_ =	sdelay $0x1  }
0x19: {  	s24 =	simm.s32 $0x1B8B  }
0x1a: {  	_ =	swait.ge [sflag:s24], $0x1  }
0x1b: {  	[sflag:s24] =	ssyncset.done $0x0  }
0x1c: {  	s26 =	simm.s32 $0x1B8E;
	s25 =	sld [smem:$0x3FFE];
	[sflag:s24] =	ssyncadd.s32 $0xFFFFFFFF  }
0x1d: {  	s27 =	simm.s32 $execute0_lowered;
	[smem:$0x3FD2] =	sst s26  }
0x1e: {  	s5 =	sshll.u32 s27, $0x1;
	_ =	strace $0x80000049;
	[dreg:$0x1] =	wrdreg $0xFFFFFFFF  }
0x1f: {  	s28 =	simm.s32 $_size_execute0_lowered;
	s3 =	sadd.s32 s3, s5;
	[dreg:$0x0] =	wrdreg $0x0  }
0x20: {  	s5 =	sshll.u32 s28, $0x1;
	[dreg:$0x2] =	wrdreg s3  }
0x21: {  	[dreg:$0x3] =	wrdreg s5  }
0x22: {  	[dreg:$0x4] =	wrdreg $0xC0  }
0x23: {  	_ =	task [dreg:s7], $0x5FFFF  }
0x24: {  	[dreg:$0x1] =	wrdreg $0xFFFFFFFF  }
0x25: {  	[dreg:$0x0] =	wrdreg $0x60  }
0x26: {  	[dreg:$0x2] =	wrdreg s25  }
0x27: {  	[dreg:$0x3] =	wrdreg s2  }
0x28: {  	[dreg:$0x4] =	wrdreg $0x9  }
0x29: {  	_ =	task.clear_ibuf [dreg:s7], $0x5FFFF;
	_ =	strace $0x90000049  }
0x2a: {  	s29 =	simm.s32 $0x9;
	_ =	strace $0x8000004B  }
0x2b: {  	_ =	swait.ge [sflag:s29], $0x1  }
0x2c: {  	[sflag:s29] =	ssyncadd.s32 $0xFFFFFFFF  }
0x2d: {  	_ =	strace $0x9000004B  }
0x2e: {  	_ =	sfence  }
0x2f: {  	s30 =	sld [smem:$0x0];
	_ =	sdelay $0x2  }
0x30: {  	s31 =	sshll.u32 s1, $0xD;
	s1 =	sshrl.u32 s1, $0x2  }
0x31: {  	s3 =	sand.u32 $0x4000, s31;
	s1 =	sadd.s32 s1, s30  }
0x32: {  	s0 =	sor.u32 s3, s0;
	s1 =	sshll.u32 s1, $0x11  }
0x33: {  	s0 =	sor.u32 s1, s0  }
0x34: {  	s0 =	sadd.s32 $0x8F2B, s0  }
0x35: {  	[sflag:s0] =	ssyncadd.remote.s32 $0x1  }
0x36: {  	_ =	sfence.sel $0xFFFF  }
0x37: {  	[dreg:$0x0] =	wrdreg $0xFFFFFFFF;
	(pc) =	sbr.abs _section_cstart, $3  }
0x38: {  	[dreg:$0x1] =	wrdreg $0xFFFFFFFF  }
0x39: {  	_ =	task.clear_ibuf [dreg:s7], $0x2FFFF;
	_ =	strace $0x9FFFFFFF  }
0x3a: {  	(tm) =	ssettm $0x7FFFFFFF  }
0x3b: {  	_ =	shalt  }
tec
execute0_lowered:
.L_overlay_start_1:
0x0: {  	(tag) =	ssettag $0x1  }
0x1: {  	s0 =	srdreg.scid  }
0x2: {  	s1 =	sshll.u32 s0, $0x4  }
0x3: {  	s0 =	stileid.u32;
	s1 =	sand.u32 $0x10, s1  }
0x4: {  	s1 =	sor.u32 s0, s1  }
0x5: {  	s6 =	rddreg [dreg:$0x0];
	s4 =	simm.s32 $0x1;
	s2 =	sshll.u32 s1, $0x7  }
0x6: {  	s7 =	simm.s32 $0x2;
	s12 =	simm.s32 $0x0;
	s1 =	ssub.s32 $0x4000, s2  }
0x7: {  	s8 =	simm.s32 $0x20000;
	s13 =	simm.s32 $0x0;
	s3 =	sand.u32 $0xF80, s1  }
0x8: {  	s9 =	simm.s32 $0x0;
	s5 =	sshrl.u32 s1, $0xC;
	p0 =	sne.s32 s3, $0x0  }
.Ltmp0:
0x9: {  	s1 =	rddreg [dreg:$0x2];
	s4 =	simm.s32 @!p0 $0x0;
	(pc) =	sbr.rel .LBB1_1-.Ltmp0, $4  }
0xa: {  	s11 =	simm.s32 $0x0;
	s3 =	rddreg [dreg:$0x1];
	s5 =	sadd.s32 s4, s5  }
0xb: {  	_ =	strace $0x8000004A;
	s4 =	simm.s32 $0x1;
	s5 =	smul.u32 $0x32, s5  }
0xc: {  	s6 =	sadd.s32 $0xA00, s6;
	s10 =	smov.u32 s2;
	[sflag:s4] =	ssyncpa.u1 $0x0  }
0xd: {  	p0 =	por $0x0, $0x0;
	[sflag:s7] =	ssyncpa.u1 $0x0;
	s7 =	sor.u32 $0x1, s5  }
.LBB1_4:
0xe: {  	s16 =	sshll.u32 s13, $0x3;
	s17 =	sand.u32 $0x78, s13  }
0xf: {  	s30 =	sand.u32 $0x1F800, s13;
	s12 =	sshll.u32 s12, $0x11;
	s16 =	sand.u32 $0x3C00, s16  }
0x10: {  	[tilespmem:s15+$0x810 ss:$0x81] =	vst.msk $0xffff, v2;
	s31 =	sand.u32 $0x7, s13;
	s16 =	sor.u32 s17, s16;
	s17 =	sadd.s32 s3, s30  }
0x11: {  	[tilespmem:s15+$0x1020 ss:$0x81] =	vst.msk $0xffff, v0;
	s13 =	sshll.u32 s31, $0x12;
	s12 =	sadd.s32 s12, s17;
	s16 =	sshrl.u32 s16, $0x3  }
0x12: {  	[tilespmem:s15+$0x0 ss:$0x81] =	vst.msk $0xffff, v1;
	s13 =	sor.u32 $0x400, s13;
	s12 =	sadd.s32 s16, s12  }
0x13: {  	[hbm4b:s12+s13] =	stream.strided.scatter [tilespmem:s14], [sflag:$0x2], $0x2000, s8, s13, $0x20;
	[tilespmem:$0x8080] =	vst v63  }
.LBB1_5:
0x14: {  	s14 =	sadd.s32 $0x1, s9  }
0x15: {  	s12 =	sadd.s32 $0x1000, s10;
	s16 =	smov.u32 s10;
	p2 =	sgt.s32 s14, $0x31  }
0x16: {  	s16 =	smov.u32 @p2 s12  }
0x17: {  	s14 =	simm.s32 @p2 $0x0;
	p2 =	sgt.s32 s16, $0x3FFF  }
0x18: {  	s16 =	smov.u32 @p2 s2;
	p2 =	sne.s32 s11, s7  }
.Ltmp1:
0x19: {  	p1 =	slt.u32 s11, $0x2;
	(pc) =	sbr.rel @!p2 .LBB1_6-.Ltmp1, $4  }
0x1a: {  	s15 =	simm.s32 @!p1 $0x2  }
0x1b: {  	s13 =	smov.u32 s10;
	p0 =	por !p0, !p0;
	_ =	swait.ge @!p1 [sflag:s15], $0x2000  }
0x1c: {  	s12 =	smov.u32 s9;
	[sflag:s15] =	ssyncset.done @!p1 $0x0;
	s9 =	smov.u32 s14  }
0x1d: {  	s11 =	sadd.s32 $0x1, s11;
	[sflag:s15] =	ssyncadd.s32 @!p1 $0xFFFFE000;
	s10 =	smov.u32 s16  }
.LBB1_1:
0x1e: {  	p1 =	sge.u32 s11, s5  }
0x1f: {  	s14 =	sand.u32 @!p1 $0x1FFFFFF, s9  }
0x20: {  	s15 =	smulhi.u32 @!p1 $0x4924925, s14;
	_ =	sdelay $0x1  }
0x21: {  	s15 =	smul.u32 @!p1 $0x38, s15  }
0x22: {  	s16 =	sxor.u32 @!p1 $0xFFFFFFFF, s11;
	s17 =	smul.u32 @!p1 $0x380, s10  }
0x23: {  	s31 =	sadd.s32 $0xFFFFFFFF, s11;
	s16 =	sshll.u32 @!p1 s16, $0xD;
	s14 =	ssub.s32 @!p1 s14, s15  }
0x24: {  	s15 =	sand.u32 @!p1 $0x2000, s16;
	s16 =	sadd.s32 @!p1 s6, s17;
	s14 =	sshll.u32 @!p1 s14, $0x4  }
0x25: {  	s17 =	simm.s32 @!p1 $0x1C00;
	s14 =	sadd.s32 @!p1 s14, s16;
	s16 =	simm.s32 @!p1 $0x40  }
0x26: {  	[tilespmem:s15], [sflag:$0x1] =	stream.strided.gather @!p1 [hbm4b:s14+s16], $0x2000, s17, s16, $0x38;
	[tilespmem:$0x8080] =	vst v63  }
0x27: {  	p1 =	sge.u32 s31, s5  }
.Ltmp2:
0x28: {  	_ = 	snop;
	(pc) =	sbr.rel @p1 .LBB1_5-.Ltmp2, $1  }
0x29: {  	_ =	sdelay $0x3  }
0x2a: {  	s14 =	simm.s32 $0x1  }
0x2b: {  	_ =	swait.ge [sflag:s4], $0x2000;
	s14 =	simm.s32 @!p0 $0x0  }
0x2c: {  	[sflag:s4] =	ssyncset.done $0x0;
	s15 =	sshll.u32 s14, $0xD  }
0x2d: {  	[sflag:s4] =	ssyncadd.s32 $0xFFFFE000;
	s18 =	sor.u32 $0x20, s15  }
0x2e: {  	s14 =	smul.u32 $0x8100, s14;
	v3 =	vld [tilespmem:s18+$0x10]  }
0x2f: {  	s30 =	sand.u32 $0x1, s11;
	v2 =	vld [tilespmem:s18+$0xFFFFFFF0]  }
0x30: {  	s15 =	smul.u32 $0x8100, s30;
	s14 =	sshrl.u32 s14, $0x2;
	v0 =	vld [tilespmem:s18+$0x0]  }
0x31: {  	v1 =	vld [tilespmem:s18+$0xFFFFFFE0];
	s16 =	sor.u32 $0x4000, s14  }
0x32: {  	s31 =	sshrl.u32 s15, $0x2;
	s15 =	sadd.s32 $0x0, s16  }
0x33: {  	s17 =	simm.s32 $0x4;
	s18 =	sadd.s32 $0x40, s18;
	s14 =	sor.u32 $0x4000, s31;
	[tilespmem:s15+$0x1830 ss:$0x81] =	vst.msk $0xffff, v3  }
.LBB1_3:
0x34: {  	v3 =	vld [tilespmem:s18+$0x10];
	p1 =	sne.s32 s17, $0x1FC;
	[tilespmem:s15+$0x810 ss:$0x81] =	vst.msk $0xffff, v2;
	s19 =	smov.u32 s17;
	s17 =	sadd.s32 $0x4, s17  }
.Ltmp3:
0x35: {  	v2 =	vld [tilespmem:s18+$0xFFFFFFF0];
	[tilespmem:s15+$0x1020 ss:$0x81] =	vst.msk $0xffff, v0;
	(pc) =	sbr.rel @p1 .LBB1_3-.Ltmp3, $4  }
0x36: {  	v0 =	vld [tilespmem:s18+$0x0];
	[tilespmem:s15+$0x0 ss:$0x81] =	vst.msk $0xffff, v1  }
0x37: {  	s15 =	sshra.s32 s19, $0x2;
	v1 =	vld [tilespmem:s18+$0xFFFFFFE0]  }
0x38: {  	s15 =	sadd.s32 s15, s16  }
0x39: {  	s18 =	sadd.s32 $0x40, s18;
	[tilespmem:s15+$0x1830 ss:$0x81] =	vst.msk $0xffff, v3  }
.Ltmp4:
0x3a: {  	_ = 	snop;
	(pc) =	sbr.rel .LBB1_4-.Ltmp4, $1  }
0x3b: {  	_ =	sdelay $0x3  }
.LBB1_6:
0x3c: {  	_ =	sfence.sel $0x180000  }
0x3d: {  	s2 =	simm.s32 $0x1;
	[bflag:$0x0] =	sbarrier.arrive $0xFFFF  }
0x3e: {  	s31 =	simm.s32 $0x2;
	[sflag:s2] =	ssyncpa.u1 $0x1  }
0x3f: {  	[sflag:s31] =	ssyncpa.u1 $0x1  }
0x40: {  	p0 =	sne.s32 s0, $0x0;
	_ =	strace $0x9000004A  }
0x41: {  	s0 =	sadd.s32 @!p0 $0x100000, s1;
	[bflag:$0x2] =	sbarrier.arrive $0xFFFF  }
0x42: {  	[sflag:s0] =	ssyncadd.tile.s32 @!p0 $0x1;
	_ =	shalt  }
.Lfunc_end1:
_tile_overlayer_lowered:
.L_overlay_start_2:
0x43: {  	(tag) =	ssettag $0x2  }
0x44: {  	s0 =	rddreg [dreg:$0x0];
	s2 =	stileid.u32  }
0x45: {  	s1 =	rddreg [dreg:$0x1];
	p0 =	sne.s32 s2, $0x0  }
0x46: {  	s3 =	rddreg [dreg:$0x2];
	[bflag:$0x3] =	sbarrier.arrive $0xFFFF;
	s2 =	simm.s32 @!p0 $0x1C01  }
0x47: {  	[timem:s3], [sflag:s2] =	dma.local @!p0 [hbm:s0], s1  }
0x48: {  	s0 =	simm.s32 @!p0 $0x1  }
0x49: {  	_ =	swait.ge @!p0 [sflag:s0], s1  }
0x4a: {  	s1 =	ssub.s32 @!p0 $0x0, s1;
	[sflag:s0] =	ssyncset.done @!p0 $0x0  }
0x4b: {  	[sflag:s0] =	ssyncadd.s32 @!p0 s1  }
0x4c: {  	[bflag:$0x3] =	sbarrier.arrive $0xFFFF  }
0x4d: {  	_ =	shalt  }

</sc_bundles>
